<compile_context>
chip_gen: v7x
topology: tpu7x:2x2x1
jax: 0.10.2.dev20260603
libtpu: 0.0.44.dev20260713+nightly
codegen_flags: <defaults>
</compile_context>

<pallas_src>
import jax
import jax.numpy as jnp
from jax.experimental import pallas as pl
from jax.experimental.pallas import tpu as pltpu

_ALPHA = 0.4
_SUB = 8
_R = 8
_INTERPRET = False


def _mix_body(perm_ref, lam_ref, *refs):
    i = pl.program_id(0)
    ap_ref = refs[0]
    aq_ref = refs[1]
    gp = refs[2:2 + _R]
    gq = refs[2 + _R:2 + 2 * _R]
    op_ref = refs[2 + 2 * _R]
    oq_ref = refs[3 + 2 * _R]
    for r in range(_R):
        lam = jax.lax.bitcast_convert_type(lam_ref[i * _R + r], jnp.float32)
        one_m = 1.0 - lam
        a = ap_ref[r]
        b = gp[r][0]
        op_ref[r] = a + jnp.log(lam + one_m * jnp.exp(b - a))
        a = aq_ref[r]
        b = gq[r][0]
        oq_ref[r] = a + jnp.log(lam + one_m * jnp.exp(b - a))


def kernel(x_pre, x_post):
    b, g = x_pre.shape
    lane = g // _SUB
    key = jax.random.key(1)
    kp, kl = jax.random.split(key)
    perm = jax.random.permutation(kp, b)
    lam = jax.random.beta(kl, _ALPHA, _ALPHA, (b,)).astype(jnp.float32)
    lam_bits = jax.lax.bitcast_convert_type(lam, jnp.int32)

    x_pre3 = x_pre.reshape(b, _SUB, lane)
    x_post3 = x_post.reshape(b, _SUB, lane)

    own = pl.BlockSpec((_R, _SUB, lane), lambda i, perm_r, lam_r: (i, 0, 0))

    def gat_spec(r):
        return pl.BlockSpec(
            (1, _SUB, lane),
            lambda i, perm_r, lam_r: (perm_r[i * _R + r], 0, 0),
        )

    grid_spec = pltpu.PrefetchScalarGridSpec(
        num_scalar_prefetch=2,
        grid=(b // _R,),
        in_specs=[own, own]
        + [gat_spec(r) for r in range(_R)]
        + [gat_spec(r) for r in range(_R)],
        out_specs=[own, own],
    )
    out_shape = [jax.ShapeDtypeStruct((b, _SUB, lane), jnp.float32)] * 2
    op3, oq3 = pl.pallas_call(
        _mix_body,
        grid_spec=grid_spec,
        out_shape=out_shape,
        interpret=_INTERPRET,
    )(perm, lam_bits, x_pre3, x_post3,
      *([x_pre3] * _R), *([x_post3] * _R))
    return op3.reshape(b, g), oq3.reshape(b, g), lam, perm

# --- scband reference (transcript-rebuilt; emitter-appended) ---
"""Pipeline reference for scband-mixup-callback-88338887344677 (READ-ONLY COPY).

The authoritative reference and input builder live on the scoring server;
editing this copy changes nothing except your own understanding.
"""

import jax, jax.numpy as jnp
import numpy as np

B = 4096
G = 8192
ALPHA = 0.4


def setup_inputs(seed: int = 0) -> dict:
    key = jax.random.key(seed)
    k1, k2 = jax.random.split(key)
    x_pre = jax.random.uniform(k1, (B, G), dtype=jnp.float32)
    x_post = jax.random.uniform(k2, (B, G), dtype=jnp.float32)
    return {"x_pre": x_pre, "x_post": x_post}


def reference(x_pre, x_post):
    # MixupCallback.forward with p=1.0, same_pert_only=False, space='log1p'.
    # The torch module draws perm ~ randperm(B) and lam ~ Beta(alpha, alpha) per sample;
    # here we draw them from a fixed jax PRNG key (randomness is inherent to the module).
    b = x_pre.shape[0]
    key = jax.random.key(1)
    kp, kl = jax.random.split(key)
    perm = jax.random.permutation(kp, b)
    lam = jax.random.beta(kl, ALPHA, ALPHA, (b,)).astype(jnp.float32)
    lam_b = lam.reshape(b, 1)  # _as_broadcastable_lambda for 2-D x

    def mix_log1p(a, bb, lam_bcast, eps=0.0):
        # a, bb ~ ln(1 + counts)
        return jnp.log1p(lam_bcast * jnp.expm1(a) + (1.0 - lam_bcast) * jnp.expm1(bb) + eps)

    x_pre_mixed = mix_log1p(x_pre, x_pre[perm], lam_b)
    x_post_mixed = mix_log1p(x_post, x_post[perm], lam_b)
    # batch['x_pre'], batch['x_post'], batch['mixup_lam'], batch['mixup_perm']
    return x_pre_mixed, x_post_mixed, lam, perm

if __name__ == "__main__":
    import jax
    _d = setup_inputs()
    print(jax.jit(kernel)(*tuple(_d.values())))

</pallas_src>

<mosaic_0001>
module attributes {stable_mosaic.version = 14 : i64} {
  func.func @_mix_body(%arg0: i32, %arg1: memref<4096xi32, #tpu.memory_space<smem>>, %arg2: memref<4096xi32, #tpu.memory_space<smem>>, %arg3: memref<8x8x1024xf32, #tpu.memory_space<vmem>>, %arg4: memref<8x8x1024xf32, #tpu.memory_space<vmem>>, %arg5: memref<1x8x1024xf32, #tpu.memory_space<vmem>>, %arg6: memref<1x8x1024xf32, #tpu.memory_space<vmem>>, %arg7: memref<1x8x1024xf32, #tpu.memory_space<vmem>>, %arg8: memref<1x8x1024xf32, #tpu.memory_space<vmem>>, %arg9: memref<1x8x1024xf32, #tpu.memory_space<vmem>>, %arg10: memref<1x8x1024xf32, #tpu.memory_space<vmem>>, %arg11: memref<1x8x1024xf32, #tpu.memory_space<vmem>>, %arg12: memref<1x8x1024xf32, #tpu.memory_space<vmem>>, %arg13: memref<1x8x1024xf32, #tpu.memory_space<vmem>>, %arg14: memref<1x8x1024xf32, #tpu.memory_space<vmem>>, %arg15: memref<1x8x1024xf32, #tpu.memory_space<vmem>>, %arg16: memref<1x8x1024xf32, #tpu.memory_space<vmem>>, %arg17: memref<1x8x1024xf32, #tpu.memory_space<vmem>>, %arg18: memref<1x8x1024xf32, #tpu.memory_space<vmem>>, %arg19: memref<1x8x1024xf32, #tpu.memory_space<vmem>>, %arg20: memref<1x8x1024xf32, #tpu.memory_space<vmem>>, %arg21: memref<8x8x1024xf32, #tpu.memory_space<vmem>>, %arg22: memref<8x8x1024xf32, #tpu.memory_space<vmem>>) attributes {dimension_semantics = [#tpu.dimension_semantics<arbitrary>], iteration_bounds = array<i64: 512>, scalar_prefetch = 2 : i64, scratch_operands = 0 : i64, tpu.core_type = #tpu.core_type<tc>, window_params = [{transform_indices = @transform_0, window_bounds = array<i64: 8, 8, 1024>}, {transform_indices = @transform_1, window_bounds = array<i64: 8, 8, 1024>}, {transform_indices = @transform_2, window_bounds = array<i64: 1, 8, 1024>}, {transform_indices = @transform_3, window_bounds = array<i64: 1, 8, 1024>}, {transform_indices = @transform_4, window_bounds = array<i64: 1, 8, 1024>}, {transform_indices = @transform_5, window_bounds = array<i64: 1, 8, 1024>}, {transform_indices = @transform_6, window_bounds = array<i64: 1, 8, 1024>}, {transform_indices = @transform_7, window_bounds = array<i64: 1, 8, 1024>}, {transform_indices = @transform_8, window_bounds = array<i64: 1, 8, 1024>}, {transform_indices = @transform_9, window_bounds = array<i64: 1, 8, 1024>}, {transform_indices = @transform_10, window_bounds = array<i64: 1, 8, 1024>}, {transform_indices = @transform_11, window_bounds = array<i64: 1, 8, 1024>}, {transform_indices = @transform_12, window_bounds = array<i64: 1, 8, 1024>}, {transform_indices = @transform_13, window_bounds = array<i64: 1, 8, 1024>}, {transform_indices = @transform_14, window_bounds = array<i64: 1, 8, 1024>}, {transform_indices = @transform_15, window_bounds = array<i64: 1, 8, 1024>}, {transform_indices = @transform_16, window_bounds = array<i64: 1, 8, 1024>}, {transform_indices = @transform_17, window_bounds = array<i64: 1, 8, 1024>}, {transform_indices = @transform_18, window_bounds = array<i64: 8, 8, 1024>}, {transform_indices = @transform_19, window_bounds = array<i64: 8, 8, 1024>}]} {
    %mul3A = arith.constant 8 : i32
    %mul3A_0 = arith.muli %arg0, %mul3A : i32
    %add3A = arith.constant 0 : i32
    %add3A_1 = arith.addi %mul3A_0, %add3A : i32
    %get3A = arith.index_cast %add3A_1 : i32 to index
    %get3A_2 = memref.load %arg2[%get3A] : memref<4096xi32, #tpu.memory_space<smem>>
    %bitcast_convert_type3A = arith.bitcast %get3A_2 : i32 to f32
    %sub3A = arith.constant 1.000000e+00 : f32
    %sub3A_3 = arith.subf %sub3A, %bitcast_convert_type3A : f32
    %get3A_4 = arith.constant 0 : index
    %get3A_5 = arith.constant 0 : index
    %get3A_6 = arith.constant 0 : index
    %get3A_7 = vector.load %arg3[%get3A_4, %get3A_5, %get3A_6] : memref<8x8x1024xf32, #tpu.memory_space<vmem>>, vector<1x8x1024xf32>
    %get3A_8 = vector.shape_cast %get3A_7 : vector<1x8x1024xf32> to vector<8x1024xf32>
    %get3A_9 = arith.constant 0 : index
    %get3A_10 = arith.constant 0 : index
    %get3A_11 = arith.constant 0 : index
    %get3A_12 = vector.load %arg5[%get3A_9, %get3A_10, %get3A_11] : memref<1x8x1024xf32, #tpu.memory_space<vmem>>, vector<1x8x1024xf32>
    %get3A_13 = vector.shape_cast %get3A_12 : vector<1x8x1024xf32> to vector<8x1024xf32>
    %sub3A_14 = arith.subf %get3A_13, %get3A_8 : vector<8x1024xf32>
    %exp3A = math.exp %sub3A_14 : vector<8x1024xf32>
    %mul3A_15 = vector.broadcast %sub3A_3 : f32 to vector<8x1024xf32>
    %mul3A_16 = arith.mulf %mul3A_15, %exp3A : vector<8x1024xf32>
    %add3A_17 = vector.broadcast %bitcast_convert_type3A : f32 to vector<8x1024xf32>
    %add3A_18 = arith.addf %add3A_17, %mul3A_16 : vector<8x1024xf32>
    %log3A = math.log %add3A_18 : vector<8x1024xf32>
    %add3A_19 = arith.addf %get3A_8, %log3A : vector<8x1024xf32>
    %swap3A = arith.constant 0 : index
    %swap3A_20 = arith.constant 0 : index
    %swap3A_21 = arith.constant 0 : index
    %swap3A_22 = vector.load %arg21[%swap3A, %swap3A_20, %swap3A_21] : memref<8x8x1024xf32, #tpu.memory_space<vmem>>, vector<1x8x1024xf32>
    %swap3A_23 = vector.shape_cast %swap3A_22 : vector<1x8x1024xf32> to vector<8x1024xf32>
    %swap3A_24 = vector.shape_cast %add3A_19 : vector<8x1024xf32> to vector<1x8x1024xf32>
    tpu.vector_store %arg21[%swap3A, %swap3A_20, %swap3A_21], %swap3A_24 {strides = array<i32>} : memref<8x8x1024xf32, #tpu.memory_space<vmem>>, vector<1x8x1024xf32>,
    %get3A_25 = arith.constant 0 : index
    %get3A_26 = arith.constant 0 : index
    %get3A_27 = arith.constant 0 : index
    %get3A_28 = vector.load %arg4[%get3A_25, %get3A_26, %get3A_27] : memref<8x8x1024xf32, #tpu.memory_space<vmem>>, vector<1x8x1024xf32>
    %get3A_29 = vector.shape_cast %get3A_28 : vector<1x8x1024xf32> to vector<8x1024xf32>
    %get3A_30 = arith.constant 0 : index
    %get3A_31 = arith.constant 0 : index
    %get3A_32 = arith.constant 0 : index
    %get3A_33 = vector.load %arg13[%get3A_30, %get3A_31, %get3A_32] : memref<1x8x1024xf32, #tpu.memory_space<vmem>>, vector<1x8x1024xf32>
    %get3A_34 = vector.shape_cast %get3A_33 : vector<1x8x1024xf32> to vector<8x1024xf32>
    %sub3A_35 = arith.subf %get3A_34, %get3A_29 : vector<8x1024xf32>
    %exp3A_36 = math.exp %sub3A_35 : vector<8x1024xf32>
    %mul3A_37 = vector.broadcast %sub3A_3 : f32 to vector<8x1024xf32>
    %mul3A_38 = arith.mulf %mul3A_37, %exp3A_36 : vector<8x1024xf32>
    %add3A_39 = vector.broadcast %bitcast_convert_type3A : f32 to vector<8x1024xf32>
    %add3A_40 = arith.addf %add3A_39, %mul3A_38 : vector<8x1024xf32>
    %log3A_41 = math.log %add3A_40 : vector<8x1024xf32>
    %add3A_42 = arith.addf %get3A_29, %log3A_41 : vector<8x1024xf32>
    %swap3A_43 = arith.constant 0 : index
    %swap3A_44 = arith.constant 0 : index
    %swap3A_45 = arith.constant 0 : index
    %swap3A_46 = vector.load %arg22[%swap3A_43, %swap3A_44, %swap3A_45] : memref<8x8x1024xf32, #tpu.memory_space<vmem>>, vector<1x8x1024xf32>
    %swap3A_47 = vector.shape_cast %swap3A_46 : vector<1x8x1024xf32> to vector<8x1024xf32>
    %swap3A_48 = vector.shape_cast %add3A_42 : vector<8x1024xf32> to vector<1x8x1024xf32>
    tpu.vector_store %arg22[%swap3A_43, %swap3A_44, %swap3A_45], %swap3A_48 {strides = array<i32>} : memref<8x8x1024xf32, #tpu.memory_space<vmem>>, vector<1x8x1024xf32>,
    %mul3A_49 = arith.constant 8 : i32
    %mul3A_50 = arith.muli %arg0, %mul3A_49 : i32
    %add3A_51 = arith.constant 1 : i32
    %add3A_52 = arith.addi %mul3A_50, %add3A_51 : i32
    %get3A_53 = arith.index_cast %add3A_52 : i32 to index
    %get3A_54 = memref.load %arg2[%get3A_53] : memref<4096xi32, #tpu.memory_space<smem>>
    %bitcast_convert_type3A_55 = arith.bitcast %get3A_54 : i32 to f32
    %sub3A_56 = arith.constant 1.000000e+00 : f32
    %sub3A_57 = arith.subf %sub3A_56, %bitcast_convert_type3A_55 : f32
    %get3A_58 = arith.constant 1 : index
    %get3A_59 = arith.constant 0 : index
    %get3A_60 = arith.constant 0 : index
    %get3A_61 = vector.load %arg3[%get3A_58, %get3A_59, %get3A_60] : memref<8x8x1024xf32, #tpu.memory_space<vmem>>, vector<1x8x1024xf32>
    %get3A_62 = vector.shape_cast %get3A_61 : vector<1x8x1024xf32> to vector<8x1024xf32>
    %get3A_63 = arith.constant 0 : index
    %get3A_64 = arith.constant 0 : index
    %get3A_65 = arith.constant 0 : index
    %get3A_66 = vector.load %arg6[%get3A_63, %get3A_64, %get3A_65] : memref<1x8x1024xf32, #tpu.memory_space<vmem>>, vector<1x8x1024xf32>
    %get3A_67 = vector.shape_cast %get3A_66 : vector<1x8x1024xf32> to vector<8x1024xf32>
    %sub3A_68 = arith.subf %get3A_67, %get3A_62 : vector<8x1024xf32>
    %exp3A_69 = math.exp %sub3A_68 : vector<8x1024xf32>
    %mul3A_70 = vector.broadcast %sub3A_57 : f32 to vector<8x1024xf32>
    %mul3A_71 = arith.mulf %mul3A_70, %exp3A_69 : vector<8x1024xf32>
    %add3A_72 = vector.broadcast %bitcast_convert_type3A_55 : f32 to vector<8x1024xf32>
    %add3A_73 = arith.addf %add3A_72, %mul3A_71 : vector<8x1024xf32>
    %log3A_74 = math.log %add3A_73 : vector<8x1024xf32>
    %add3A_75 = arith.addf %get3A_62, %log3A_74 : vector<8x1024xf32>
    %swap3A_76 = arith.constant 1 : index
    %swap3A_77 = arith.constant 0 : index
    %swap3A_78 = arith.constant 0 : index
    %swap3A_79 = vector.load %arg21[%swap3A_76, %swap3A_77, %swap3A_78] : memref<8x8x1024xf32, #tpu.memory_space<vmem>>, vector<1x8x1024xf32>
    %swap3A_80 = vector.shape_cast %swap3A_79 : vector<1x8x1024xf32> to vector<8x1024xf32>
    %swap3A_81 = vector.shape_cast %add3A_75 : vector<8x1024xf32> to vector<1x8x1024xf32>
    tpu.vector_store %arg21[%swap3A_76, %swap3A_77, %swap3A_78], %swap3A_81 {strides = array<i32>} : memref<8x8x1024xf32, #tpu.memory_space<vmem>>, vector<1x8x1024xf32>,
    %get3A_82 = arith.constant 1 : index
    %get3A_83 = arith.constant 0 : index
    %get3A_84 = arith.constant 0 : index
    %get3A_85 = vector.load %arg4[%get3A_82, %get3A_83, %get3A_84] : memref<8x8x1024xf32, #tpu.memory_space<vmem>>, vector<1x8x1024xf32>
    %get3A_86 = vector.shape_cast %get3A_85 : vector<1x8x1024xf32> to vector<8x1024xf32>
    %get3A_87 = arith.constant 0 : index
    %get3A_88 = arith.constant 0 : index
    %get3A_89 = arith.constant 0 : index
    %get3A_90 = vector.load %arg14[%get3A_87, %get3A_88, %get3A_89] : memref<1x8x1024xf32, #tpu.memory_space<vmem>>, vector<1x8x1024xf32>
    %get3A_91 = vector.shape_cast %get3A_90 : vector<1x8x1024xf32> to vector<8x1024xf32>
    %sub3A_92 = arith.subf %get3A_91, %get3A_86 : vector<8x1024xf32>
    %exp3A_93 = math.exp %sub3A_92 : vector<8x1024xf32>
    %mul3A_94 = vector.broadcast %sub3A_57 : f32 to vector<8x1024xf32>
    %mul3A_95 = arith.mulf %mul3A_94, %exp3A_93 : vector<8x1024xf32>
    %add3A_96 = vector.broadcast %bitcast_convert_type3A_55 : f32 to vector<8x1024xf32>
    %add3A_97 = arith.addf %add3A_96, %mul3A_95 : vector<8x1024xf32>
    %log3A_98 = math.log %add3A_97 : vector<8x1024xf32>
    %add3A_99 = arith.addf %get3A_86, %log3A_98 : vector<8x1024xf32>
    %swap3A_100 = arith.constant 1 : index
    %swap3A_101 = arith.constant 0 : index
    %swap3A_102 = arith.constant 0 : index
    %swap3A_103 = vector.load %arg22[%swap3A_100, %swap3A_101, %swap3A_102] : memref<8x8x1024xf32, #tpu.memory_space<vmem>>, vector<1x8x1024xf32>
    %swap3A_104 = vector.shape_cast %swap3A_103 : vector<1x8x1024xf32> to vector<8x1024xf32>
    %swap3A_105 = vector.shape_cast %add3A_99 : vector<8x1024xf32> to vector<1x8x1024xf32>
    tpu.vector_store %arg22[%swap3A_100, %swap3A_101, %swap3A_102], %swap3A_105 {strides = array<i32>} : memref<8x8x1024xf32, #tpu.memory_space<vmem>>, vector<1x8x1024xf32>,
    %mul3A_106 = arith.constant 8 : i32
    %mul3A_107 = arith.muli %arg0, %mul3A_106 : i32
    %add3A_108 = arith.constant 2 : i32
    %add3A_109 = arith.addi %mul3A_107, %add3A_108 : i32
    %get3A_110 = arith.index_cast %add3A_109 : i32 to index
    %get3A_111 = memref.load %arg2[%get3A_110] : memref<4096xi32, #tpu.memory_space<smem>>
    %bitcast_convert_type3A_112 = arith.bitcast %get3A_111 : i32 to f32
    %sub3A_113 = arith.constant 1.000000e+00 : f32
    %sub3A_114 = arith.subf %sub3A_113, %bitcast_convert_type3A_112 : f32
    %get3A_115 = arith.constant 2 : index
    %get3A_116 = arith.constant 0 : index
    %get3A_117 = arith.constant 0 : index
    %get3A_118 = vector.load %arg3[%get3A_115, %get3A_116, %get3A_117] : memref<8x8x1024xf32, #tpu.memory_space<vmem>>, vector<1x8x1024xf32>
    %get3A_119 = vector.shape_cast %get3A_118 : vector<1x8x1024xf32> to vector<8x1024xf32>
    %get3A_120 = arith.constant 0 : index
    %get3A_121 = arith.constant 0 : index
    %get3A_122 = arith.constant 0 : index
    %get3A_123 = vector.load %arg7[%get3A_120, %get3A_121, %get3A_122] : memref<1x8x1024xf32, #tpu.memory_space<vmem>>, vector<1x8x1024xf32>
    %get3A_124 = vector.shape_cast %get3A_123 : vector<1x8x1024xf32> to vector<8x1024xf32>
    %sub3A_125 = arith.subf %get3A_124, %get3A_119 : vector<8x1024xf32>
    %exp3A_126 = math.exp %sub3A_125 : vector<8x1024xf32>
    %mul3A_127 = vector.broadcast %sub3A_114 : f32 to vector<8x1024xf32>
    %mul3A_128 = arith.mulf %mul3A_127, %exp3A_126 : vector<8x1024xf32>
    %add3A_129 = vector.broadcast %bitcast_convert_type3A_112 : f32 to vector<8x1024xf32>
    %add3A_130 = arith.addf %add3A_129, %mul3A_128 : vector<8x1024xf32>
    %log3A_131 = math.log %add3A_130 : vector<8x1024xf32>
    %add3A_132 = arith.addf %get3A_119, %log3A_131 : vector<8x1024xf32>
    %swap3A_133 = arith.constant 2 : index
    %swap3A_134 = arith.constant 0 : index
    %swap3A_135 = arith.constant 0 : index
    %swap3A_136 = vector.load %arg21[%swap3A_133, %swap3A_134, %swap3A_135] : memref<8x8x1024xf32, #tpu.memory_space<vmem>>, vector<1x8x1024xf32>
    %swap3A_137 = vector.shape_cast %swap3A_136 : vector<1x8x1024xf32> to vector<8x1024xf32>
    %swap3A_138 = vector.shape_cast %add3A_132 : vector<8x1024xf32> to vector<1x8x1024xf32>
    tpu.vector_store %arg21[%swap3A_133, %swap3A_134, %swap3A_135], %swap3A_138 {strides = array<i32>} : memref<8x8x1024xf32, #tpu.memory_space<vmem>>, vector<1x8x1024xf32>,
    %get3A_139 = arith.constant 2 : index
    %get3A_140 = arith.constant 0 : index
    %get3A_141 = arith.constant 0 : index
    %get3A_142 = vector.load %arg4[%get3A_139, %get3A_140, %get3A_141] : memref<8x8x1024xf32, #tpu.memory_space<vmem>>, vector<1x8x1024xf32>
    %get3A_143 = vector.shape_cast %get3A_142 : vector<1x8x1024xf32> to vector<8x1024xf32>
    %get3A_144 = arith.constant 0 : index
    %get3A_145 = arith.constant 0 : index
    %get3A_146 = arith.constant 0 : index
    %get3A_147 = vector.load %arg15[%get3A_144, %get3A_145, %get3A_146] : memref<1x8x1024xf32, #tpu.memory_space<vmem>>, vector<1x8x1024xf32>
    %get3A_148 = vector.shape_cast %get3A_147 : vector<1x8x1024xf32> to vector<8x1024xf32>
    %sub3A_149 = arith.subf %get3A_148, %get3A_143 : vector<8x1024xf32>
    %exp3A_150 = math.exp %sub3A_149 : vector<8x1024xf32>
    %mul3A_151 = vector.broadcast %sub3A_114 : f32 to vector<8x1024xf32>
    %mul3A_152 = arith.mulf %mul3A_151, %exp3A_150 : vector<8x1024xf32>
    %add3A_153 = vector.broadcast %bitcast_convert_type3A_112 : f32 to vector<8x1024xf32>
    %add3A_154 = arith.addf %add3A_153, %mul3A_152 : vector<8x1024xf32>
    %log3A_155 = math.log %add3A_154 : vector<8x1024xf32>
    %add3A_156 = arith.addf %get3A_143, %log3A_155 : vector<8x1024xf32>
    %swap3A_157 = arith.constant 2 : index
    %swap3A_158 = arith.constant 0 : index
    %swap3A_159 = arith.constant 0 : index
    %swap3A_160 = vector.load %arg22[%swap3A_157, %swap3A_158, %swap3A_159] : memref<8x8x1024xf32, #tpu.memory_space<vmem>>, vector<1x8x1024xf32>
    %swap3A_161 = vector.shape_cast %swap3A_160 : vector<1x8x1024xf32> to vector<8x1024xf32>
    %swap3A_162 = vector.shape_cast %add3A_156 : vector<8x1024xf32> to vector<1x8x1024xf32>
    tpu.vector_store %arg22[%swap3A_157, %swap3A_158, %swap3A_159], %swap3A_162 {strides = array<i32>} : memref<8x8x1024xf32, #tpu.memory_space<vmem>>, vector<1x8x1024xf32>,
    %mul3A_163 = arith.constant 8 : i32
    %mul3A_164 = arith.muli %arg0, %mul3A_163 : i32
    %add3A_165 = arith.constant 3 : i32
    %add3A_166 = arith.addi %mul3A_164, %add3A_165 : i32
    %get3A_167 = arith.index_cast %add3A_166 : i32 to index
    %get3A_168 = memref.load %arg2[%get3A_167] : memref<4096xi32, #tpu.memory_space<smem>>
    %bitcast_convert_type3A_169 = arith.bitcast %get3A_168 : i32 to f32
    %sub3A_170 = arith.constant 1.000000e+00 : f32
    %sub3A_171 = arith.subf %sub3A_170, %bitcast_convert_type3A_169 : f32
    %get3A_172 = arith.constant 3 : index
    %get3A_173 = arith.constant 0 : index
    %get3A_174 = arith.constant 0 : index
    %get3A_175 = vector.load %arg3[%get3A_172, %get3A_173, %get3A_174] : memref<8x8x1024xf32, #tpu.memory_space<vmem>>, vector<1x8x1024xf32>
    %get3A_176 = vector.shape_cast %get3A_175 : vector<1x8x1024xf32> to vector<8x1024xf32>
    %get3A_177 = arith.constant 0 : index
    %get3A_178 = arith.constant 0 : index
    %get3A_179 = arith.constant 0 : index
    %get3A_180 = vector.load %arg8[%get3A_177, %get3A_178, %get3A_179] : memref<1x8x1024xf32, #tpu.memory_space<vmem>>, vector<1x8x1024xf32>
    %get3A_181 = vector.shape_cast %get3A_180 : vector<1x8x1024xf32> to vector<8x1024xf32>
    %sub3A_182 = arith.subf %get3A_181, %get3A_176 : vector<8x1024xf32>
    %exp3A_183 = math.exp %sub3A_182 : vector<8x1024xf32>
    %mul3A_184 = vector.broadcast %sub3A_171 : f32 to vector<8x1024xf32>
    %mul3A_185 = arith.mulf %mul3A_184, %exp3A_183 : vector<8x1024xf32>
    %add3A_186 = vector.broadcast %bitcast_convert_type3A_169 : f32 to vector<8x1024xf32>
    %add3A_187 = arith.addf %add3A_186, %mul3A_185 : vector<8x1024xf32>
    %log3A_188 = math.log %add3A_187 : vector<8x1024xf32>
    %add3A_189 = arith.addf %get3A_176, %log3A_188 : vector<8x1024xf32>
    %swap3A_190 = arith.constant 3 : index
    %swap3A_191 = arith.constant 0 : index
    %swap3A_192 = arith.constant 0 : index
    %swap3A_193 = vector.load %arg21[%swap3A_190, %swap3A_191, %swap3A_192] : memref<8x8x1024xf32, #tpu.memory_space<vmem>>, vector<1x8x1024xf32>
    %swap3A_194 = vector.shape_cast %swap3A_193 : vector<1x8x1024xf32> to vector<8x1024xf32>
    %swap3A_195 = vector.shape_cast %add3A_189 : vector<8x1024xf32> to vector<1x8x1024xf32>
    tpu.vector_store %arg21[%swap3A_190, %swap3A_191, %swap3A_192], %swap3A_195 {strides = array<i32>} : memref<8x8x1024xf32, #tpu.memory_space<vmem>>, vector<1x8x1024xf32>,
    %get3A_196 = arith.constant 3 : index
    %get3A_197 = arith.constant 0 : index
    %get3A_198 = arith.constant 0 : index
    %get3A_199 = vector.load %arg4[%get3A_196, %get3A_197, %get3A_198] : memref<8x8x1024xf32, #tpu.memory_space<vmem>>, vector<1x8x1024xf32>
    %get3A_200 = vector.shape_cast %get3A_199 : vector<1x8x1024xf32> to vector<8x1024xf32>
    %get3A_201 = arith.constant 0 : index
    %get3A_202 = arith.constant 0 : index
    %get3A_203 = arith.constant 0 : index
    %get3A_204 = vector.load %arg16[%get3A_201, %get3A_202, %get3A_203] : memref<1x8x1024xf32, #tpu.memory_space<vmem>>, vector<1x8x1024xf32>
    %get3A_205 = vector.shape_cast %get3A_204 : vector<1x8x1024xf32> to vector<8x1024xf32>
    %sub3A_206 = arith.subf %get3A_205, %get3A_200 : vector<8x1024xf32>
    %exp3A_207 = math.exp %sub3A_206 : vector<8x1024xf32>
    %mul3A_208 = vector.broadcast %sub3A_171 : f32 to vector<8x1024xf32>
    %mul3A_209 = arith.mulf %mul3A_208, %exp3A_207 : vector<8x1024xf32>
    %add3A_210 = vector.broadcast %bitcast_convert_type3A_169 : f32 to vector<8x1024xf32>
    %add3A_211 = arith.addf %add3A_210, %mul3A_209 : vector<8x1024xf32>
    %log3A_212 = math.log %add3A_211 : vector<8x1024xf32>
    %add3A_213 = arith.addf %get3A_200, %log3A_212 : vector<8x1024xf32>
    %swap3A_214 = arith.constant 3 : index
    %swap3A_215 = arith.constant 0 : index
    %swap3A_216 = arith.constant 0 : index
    %swap3A_217 = vector.load %arg22[%swap3A_214, %swap3A_215, %swap3A_216] : memref<8x8x1024xf32, #tpu.memory_space<vmem>>, vector<1x8x1024xf32>
    %swap3A_218 = vector.shape_cast %swap3A_217 : vector<1x8x1024xf32> to vector<8x1024xf32>
    %swap3A_219 = vector.shape_cast %add3A_213 : vector<8x1024xf32> to vector<1x8x1024xf32>
    tpu.vector_store %arg22[%swap3A_214, %swap3A_215, %swap3A_216], %swap3A_219 {strides = array<i32>} : memref<8x8x1024xf32, #tpu.memory_space<vmem>>, vector<1x8x1024xf32>,
    %mul3A_220 = arith.constant 8 : i32
    %mul3A_221 = arith.muli %arg0, %mul3A_220 : i32
    %add3A_222 = arith.constant 4 : i32
    %add3A_223 = arith.addi %mul3A_221, %add3A_222 : i32
    %get3A_224 = arith.index_cast %add3A_223 : i32 to index
    %get3A_225 = memref.load %arg2[%get3A_224] : memref<4096xi32, #tpu.memory_space<smem>>
    %bitcast_convert_type3A_226 = arith.bitcast %get3A_225 : i32 to f32
    %sub3A_227 = arith.constant 1.000000e+00 : f32
    %sub3A_228 = arith.subf %sub3A_227, %bitcast_convert_type3A_226 : f32
    %get3A_229 = arith.constant 4 : index
    %get3A_230 = arith.constant 0 : index
    %get3A_231 = arith.constant 0 : index
    %get3A_232 = vector.load %arg3[%get3A_229, %get3A_230, %get3A_231] : memref<8x8x1024xf32, #tpu.memory_space<vmem>>, vector<1x8x1024xf32>
    %get3A_233 = vector.shape_cast %get3A_232 : vector<1x8x1024xf32> to vector<8x1024xf32>
    %get3A_234 = arith.constant 0 : index
    %get3A_235 = arith.constant 0 : index
    %get3A_236 = arith.constant 0 : index
    %get3A_237 = vector.load %arg9[%get3A_234, %get3A_235, %get3A_236] : memref<1x8x1024xf32, #tpu.memory_space<vmem>>, vector<1x8x1024xf32>
    %get3A_238 = vector.shape_cast %get3A_237 : vector<1x8x1024xf32> to vector<8x1024xf32>
    %sub3A_239 = arith.subf %get3A_238, %get3A_233 : vector<8x1024xf32>
    %exp3A_240 = math.exp %sub3A_239 : vector<8x1024xf32>
    %mul3A_241 = vector.broadcast %sub3A_228 : f32 to vector<8x1024xf32>
    %mul3A_242 = arith.mulf %mul3A_241, %exp3A_240 : vector<8x1024xf32>
    %add3A_243 = vector.broadcast %bitcast_convert_type3A_226 : f32 to vector<8x1024xf32>
    %add3A_244 = arith.addf %add3A_243, %mul3A_242 : vector<8x1024xf32>
    %log3A_245 = math.log %add3A_244 : vector<8x1024xf32>
    %add3A_246 = arith.addf %get3A_233, %log3A_245 : vector<8x1024xf32>
    %swap3A_247 = arith.constant 4 : index
    %swap3A_248 = arith.constant 0 : index
    %swap3A_249 = arith.constant 0 : index
    %swap3A_250 = vector.load %arg21[%swap3A_247, %swap3A_248, %swap3A_249] : memref<8x8x1024xf32, #tpu.memory_space<vmem>>, vector<1x8x1024xf32>
    %swap3A_251 = vector.shape_cast %swap3A_250 : vector<1x8x1024xf32> to vector<8x1024xf32>
    %swap3A_252 = vector.shape_cast %add3A_246 : vector<8x1024xf32> to vector<1x8x1024xf32>
    tpu.vector_store %arg21[%swap3A_247, %swap3A_248, %swap3A_249], %swap3A_252 {strides = array<i32>} : memref<8x8x1024xf32, #tpu.memory_space<vmem>>, vector<1x8x1024xf32>,
    %get3A_253 = arith.constant 4 : index
    %get3A_254 = arith.constant 0 : index
    %get3A_255 = arith.constant 0 : index
    %get3A_256 = vector.load %arg4[%get3A_253, %get3A_254, %get3A_255] : memref<8x8x1024xf32, #tpu.memory_space<vmem>>, vector<1x8x1024xf32>
    %get3A_257 = vector.shape_cast %get3A_256 : vector<1x8x1024xf32> to vector<8x1024xf32>
    %get3A_258 = arith.constant 0 : index
    %get3A_259 = arith.constant 0 : index
    %get3A_260 = arith.constant 0 : index
    %get3A_261 = vector.load %arg17[%get3A_258, %get3A_259, %get3A_260] : memref<1x8x1024xf32, #tpu.memory_space<vmem>>, vector<1x8x1024xf32>
    %get3A_262 = vector.shape_cast %get3A_261 : vector<1x8x1024xf32> to vector<8x1024xf32>
    %sub3A_263 = arith.subf %get3A_262, %get3A_257 : vector<8x1024xf32>
    %exp3A_264 = math.exp %sub3A_263 : vector<8x1024xf32>
    %mul3A_265 = vector.broadcast %sub3A_228 : f32 to vector<8x1024xf32>
    %mul3A_266 = arith.mulf %mul3A_265, %exp3A_264 : vector<8x1024xf32>
    %add3A_267 = vector.broadcast %bitcast_convert_type3A_226 : f32 to vector<8x1024xf32>
    %add3A_268 = arith.addf %add3A_267, %mul3A_266 : vector<8x1024xf32>
    %log3A_269 = math.log %add3A_268 : vector<8x1024xf32>
    %add3A_270 = arith.addf %get3A_257, %log3A_269 : vector<8x1024xf32>
    %swap3A_271 = arith.constant 4 : index
    %swap3A_272 = arith.constant 0 : index
    %swap3A_273 = arith.constant 0 : index
    %swap3A_274 = vector.load %arg22[%swap3A_271, %swap3A_272, %swap3A_273] : memref<8x8x1024xf32, #tpu.memory_space<vmem>>, vector<1x8x1024xf32>
    %swap3A_275 = vector.shape_cast %swap3A_274 : vector<1x8x1024xf32> to vector<8x1024xf32>
    %swap3A_276 = vector.shape_cast %add3A_270 : vector<8x1024xf32> to vector<1x8x1024xf32>
    tpu.vector_store %arg22[%swap3A_271, %swap3A_272, %swap3A_273], %swap3A_276 {strides = array<i32>} : memref<8x8x1024xf32, #tpu.memory_space<vmem>>, vector<1x8x1024xf32>,
    %mul3A_277 = arith.constant 8 : i32
    %mul3A_278 = arith.muli %arg0, %mul3A_277 : i32
    %add3A_279 = arith.constant 5 : i32
    %add3A_280 = arith.addi %mul3A_278, %add3A_279 : i32
    %get3A_281 = arith.index_cast %add3A_280 : i32 to index
    %get3A_282 = memref.load %arg2[%get3A_281] : memref<4096xi32, #tpu.memory_space<smem>>
    %bitcast_convert_type3A_283 = arith.bitcast %get3A_282 : i32 to f32
    %sub3A_284 = arith.constant 1.000000e+00 : f32
    %sub3A_285 = arith.subf %sub3A_284, %bitcast_convert_type3A_283 : f32
    %get3A_286 = arith.constant 5 : index
    %get3A_287 = arith.constant 0 : index
    %get3A_288 = arith.constant 0 : index
    %get3A_289 = vector.load %arg3[%get3A_286, %get3A_287, %get3A_288] : memref<8x8x1024xf32, #tpu.memory_space<vmem>>, vector<1x8x1024xf32>
    %get3A_290 = vector.shape_cast %get3A_289 : vector<1x8x1024xf32> to vector<8x1024xf32>
    %get3A_291 = arith.constant 0 : index
    %get3A_292 = arith.constant 0 : index
    %get3A_293 = arith.constant 0 : index
    %get3A_294 = vector.load %arg10[%get3A_291, %get3A_292, %get3A_293] : memref<1x8x1024xf32, #tpu.memory_space<vmem>>, vector<1x8x1024xf32>
    %get3A_295 = vector.shape_cast %get3A_294 : vector<1x8x1024xf32> to vector<8x1024xf32>
    %sub3A_296 = arith.subf %get3A_295, %get3A_290 : vector<8x1024xf32>
    %exp3A_297 = math.exp %sub3A_296 : vector<8x1024xf32>
    %mul3A_298 = vector.broadcast %sub3A_285 : f32 to vector<8x1024xf32>
    %mul3A_299 = arith.mulf %mul3A_298, %exp3A_297 : vector<8x1024xf32>
    %add3A_300 = vector.broadcast %bitcast_convert_type3A_283 : f32 to vector<8x1024xf32>
    %add3A_301 = arith.addf %add3A_300, %mul3A_299 : vector<8x1024xf32>
    %log3A_302 = math.log %add3A_301 : vector<8x1024xf32>
    %add3A_303 = arith.addf %get3A_290, %log3A_302 : vector<8x1024xf32>
    %swap3A_304 = arith.constant 5 : index
    %swap3A_305 = arith.constant 0 : index
    %swap3A_306 = arith.constant 0 : index
    %swap3A_307 = vector.load %arg21[%swap3A_304, %swap3A_305, %swap3A_306] : memref<8x8x1024xf32, #tpu.memory_space<vmem>>, vector<1x8x1024xf32>
    %swap3A_308 = vector.shape_cast %swap3A_307 : vector<1x8x1024xf32> to vector<8x1024xf32>
    %swap3A_309 = vector.shape_cast %add3A_303 : vector<8x1024xf32> to vector<1x8x1024xf32>
    tpu.vector_store %arg21[%swap3A_304, %swap3A_305, %swap3A_306], %swap3A_309 {strides = array<i32>} : memref<8x8x1024xf32, #tpu.memory_space<vmem>>, vector<1x8x1024xf32>,
    %get3A_310 = arith.constant 5 : index
    %get3A_311 = arith.constant 0 : index
    %get3A_312 = arith.constant 0 : index
    %get3A_313 = vector.load %arg4[%get3A_310, %get3A_311, %get3A_312] : memref<8x8x1024xf32, #tpu.memory_space<vmem>>, vector<1x8x1024xf32>
    %get3A_314 = vector.shape_cast %get3A_313 : vector<1x8x1024xf32> to vector<8x1024xf32>
    %get3A_315 = arith.constant 0 : index
    %get3A_316 = arith.constant 0 : index
    %get3A_317 = arith.constant 0 : index
    %get3A_318 = vector.load %arg18[%get3A_315, %get3A_316, %get3A_317] : memref<1x8x1024xf32, #tpu.memory_space<vmem>>, vector<1x8x1024xf32>
    %get3A_319 = vector.shape_cast %get3A_318 : vector<1x8x1024xf32> to vector<8x1024xf32>
    %sub3A_320 = arith.subf %get3A_319, %get3A_314 : vector<8x1024xf32>
    %exp3A_321 = math.exp %sub3A_320 : vector<8x1024xf32>
    %mul3A_322 = vector.broadcast %sub3A_285 : f32 to vector<8x1024xf32>
    %mul3A_323 = arith.mulf %mul3A_322, %exp3A_321 : vector<8x1024xf32>
    %add3A_324 = vector.broadcast %bitcast_convert_type3A_283 : f32 to vector<8x1024xf32>
    %add3A_325 = arith.addf %add3A_324, %mul3A_323 : vector<8x1024xf32>
    %log3A_326 = math.log %add3A_325 : vector<8x1024xf32>
    %add3A_327 = arith.addf %get3A_314, %log3A_326 : vector<8x1024xf32>
    %swap3A_328 = arith.constant 5 : index
    %swap3A_329 = arith.constant 0 : index
    %swap3A_330 = arith.constant 0 : index
    %swap3A_331 = vector.load %arg22[%swap3A_328, %swap3A_329, %swap3A_330] : memref<8x8x1024xf32, #tpu.memory_space<vmem>>, vector<1x8x1024xf32>
    %swap3A_332 = vector.shape_cast %swap3A_331 : vector<1x8x1024xf32> to vector<8x1024xf32>
    %swap3A_333 = vector.shape_cast %add3A_327 : vector<8x1024xf32> to vector<1x8x1024xf32>
    tpu.vector_store %arg22[%swap3A_328, %swap3A_329, %swap3A_330], %swap3A_333 {strides = array<i32>} : memref<8x8x1024xf32, #tpu.memory_space<vmem>>, vector<1x8x1024xf32>,
    %mul3A_334 = arith.constant 8 : i32
    %mul3A_335 = arith.muli %arg0, %mul3A_334 : i32
    %add3A_336 = arith.constant 6 : i32
    %add3A_337 = arith.addi %mul3A_335, %add3A_336 : i32
    %get3A_338 = arith.index_cast %add3A_337 : i32 to index
    %get3A_339 = memref.load %arg2[%get3A_338] : memref<4096xi32, #tpu.memory_space<smem>>
    %bitcast_convert_type3A_340 = arith.bitcast %get3A_339 : i32 to f32
    %sub3A_341 = arith.constant 1.000000e+00 : f32
    %sub3A_342 = arith.subf %sub3A_341, %bitcast_convert_type3A_340 : f32
    %get3A_343 = arith.constant 6 : index
    %get3A_344 = arith.constant 0 : index
    %get3A_345 = arith.constant 0 : index
    %get3A_346 = vector.load %arg3[%get3A_343, %get3A_344, %get3A_345] : memref<8x8x1024xf32, #tpu.memory_space<vmem>>, vector<1x8x1024xf32>
    %get3A_347 = vector.shape_cast %get3A_346 : vector<1x8x1024xf32> to vector<8x1024xf32>
    %get3A_348 = arith.constant 0 : index
    %get3A_349 = arith.constant 0 : index
    %get3A_350 = arith.constant 0 : index
    %get3A_351 = vector.load %arg11[%get3A_348, %get3A_349, %get3A_350] : memref<1x8x1024xf32, #tpu.memory_space<vmem>>, vector<1x8x1024xf32>
    %get3A_352 = vector.shape_cast %get3A_351 : vector<1x8x1024xf32> to vector<8x1024xf32>
    %sub3A_353 = arith.subf %get3A_352, %get3A_347 : vector<8x1024xf32>
    %exp3A_354 = math.exp %sub3A_353 : vector<8x1024xf32>
    %mul3A_355 = vector.broadcast %sub3A_342 : f32 to vector<8x1024xf32>
    %mul3A_356 = arith.mulf %mul3A_355, %exp3A_354 : vector<8x1024xf32>
    %add3A_357 = vector.broadcast %bitcast_convert_type3A_340 : f32 to vector<8x1024xf32>
    %add3A_358 = arith.addf %add3A_357, %mul3A_356 : vector<8x1024xf32>
    %log3A_359 = math.log %add3A_358 : vector<8x1024xf32>
    %add3A_360 = arith.addf %get3A_347, %log3A_359 : vector<8x1024xf32>
    %swap3A_361 = arith.constant 6 : index
    %swap3A_362 = arith.constant 0 : index
    %swap3A_363 = arith.constant 0 : index
    %swap3A_364 = vector.load %arg21[%swap3A_361, %swap3A_362, %swap3A_363] : memref<8x8x1024xf32, #tpu.memory_space<vmem>>, vector<1x8x1024xf32>
    %swap3A_365 = vector.shape_cast %swap3A_364 : vector<1x8x1024xf32> to vector<8x1024xf32>
    %swap3A_366 = vector.shape_cast %add3A_360 : vector<8x1024xf32> to vector<1x8x1024xf32>
    tpu.vector_store %arg21[%swap3A_361, %swap3A_362, %swap3A_363], %swap3A_366 {strides = array<i32>} : memref<8x8x1024xf32, #tpu.memory_space<vmem>>, vector<1x8x1024xf32>,
    %get3A_367 = arith.constant 6 : index
    %get3A_368 = arith.constant 0 : index
    %get3A_369 = arith.constant 0 : index
    %get3A_370 = vector.load %arg4[%get3A_367, %get3A_368, %get3A_369] : memref<8x8x1024xf32, #tpu.memory_space<vmem>>, vector<1x8x1024xf32>
    %get3A_371 = vector.shape_cast %get3A_370 : vector<1x8x1024xf32> to vector<8x1024xf32>
    %get3A_372 = arith.constant 0 : index
    %get3A_373 = arith.constant 0 : index
    %get3A_374 = arith.constant 0 : index
    %get3A_375 = vector.load %arg19[%get3A_372, %get3A_373, %get3A_374] : memref<1x8x1024xf32, #tpu.memory_space<vmem>>, vector<1x8x1024xf32>
    %get3A_376 = vector.shape_cast %get3A_375 : vector<1x8x1024xf32> to vector<8x1024xf32>
    %sub3A_377 = arith.subf %get3A_376, %get3A_371 : vector<8x1024xf32>
    %exp3A_378 = math.exp %sub3A_377 : vector<8x1024xf32>
    %mul3A_379 = vector.broadcast %sub3A_342 : f32 to vector<8x1024xf32>
    %mul3A_380 = arith.mulf %mul3A_379, %exp3A_378 : vector<8x1024xf32>
    %add3A_381 = vector.broadcast %bitcast_convert_type3A_340 : f32 to vector<8x1024xf32>
    %add3A_382 = arith.addf %add3A_381, %mul3A_380 : vector<8x1024xf32>
    %log3A_383 = math.log %add3A_382 : vector<8x1024xf32>
    %add3A_384 = arith.addf %get3A_371, %log3A_383 : vector<8x1024xf32>
    %swap3A_385 = arith.constant 6 : index
    %swap3A_386 = arith.constant 0 : index
    %swap3A_387 = arith.constant 0 : index
    %swap3A_388 = vector.load %arg22[%swap3A_385, %swap3A_386, %swap3A_387] : memref<8x8x1024xf32, #tpu.memory_space<vmem>>, vector<1x8x1024xf32>
    %swap3A_389 = vector.shape_cast %swap3A_388 : vector<1x8x1024xf32> to vector<8x1024xf32>
    %swap3A_390 = vector.shape_cast %add3A_384 : vector<8x1024xf32> to vector<1x8x1024xf32>
    tpu.vector_store %arg22[%swap3A_385, %swap3A_386, %swap3A_387], %swap3A_390 {strides = array<i32>} : memref<8x8x1024xf32, #tpu.memory_space<vmem>>, vector<1x8x1024xf32>,
    %mul3A_391 = arith.constant 8 : i32
    %mul3A_392 = arith.muli %arg0, %mul3A_391 : i32
    %add3A_393 = arith.constant 7 : i32
    %add3A_394 = arith.addi %mul3A_392, %add3A_393 : i32
    %get3A_395 = arith.index_cast %add3A_394 : i32 to index
    %get3A_396 = memref.load %arg2[%get3A_395] : memref<4096xi32, #tpu.memory_space<smem>>
    %bitcast_convert_type3A_397 = arith.bitcast %get3A_396 : i32 to f32
    %sub3A_398 = arith.constant 1.000000e+00 : f32
    %sub3A_399 = arith.subf %sub3A_398, %bitcast_convert_type3A_397 : f32
    %get3A_400 = arith.constant 7 : index
    %get3A_401 = arith.constant 0 : index
    %get3A_402 = arith.constant 0 : index
    %get3A_403 = vector.load %arg3[%get3A_400, %get3A_401, %get3A_402] : memref<8x8x1024xf32, #tpu.memory_space<vmem>>, vector<1x8x1024xf32>
    %get3A_404 = vector.shape_cast %get3A_403 : vector<1x8x1024xf32> to vector<8x1024xf32>
    %get3A_405 = arith.constant 0 : index
    %get3A_406 = arith.constant 0 : index
    %get3A_407 = arith.constant 0 : index
    %get3A_408 = vector.load %arg12[%get3A_405, %get3A_406, %get3A_407] : memref<1x8x1024xf32, #tpu.memory_space<vmem>>, vector<1x8x1024xf32>
    %get3A_409 = vector.shape_cast %get3A_408 : vector<1x8x1024xf32> to vector<8x1024xf32>
    %sub3A_410 = arith.subf %get3A_409, %get3A_404 : vector<8x1024xf32>
    %exp3A_411 = math.exp %sub3A_410 : vector<8x1024xf32>
    %mul3A_412 = vector.broadcast %sub3A_399 : f32 to vector<8x1024xf32>
    %mul3A_413 = arith.mulf %mul3A_412, %exp3A_411 : vector<8x1024xf32>
    %add3A_414 = vector.broadcast %bitcast_convert_type3A_397 : f32 to vector<8x1024xf32>
    %add3A_415 = arith.addf %add3A_414, %mul3A_413 : vector<8x1024xf32>
    %log3A_416 = math.log %add3A_415 : vector<8x1024xf32>
    %add3A_417 = arith.addf %get3A_404, %log3A_416 : vector<8x1024xf32>
    %swap3A_418 = arith.constant 7 : index
    %swap3A_419 = arith.constant 0 : index
    %swap3A_420 = arith.constant 0 : index
    %swap3A_421 = vector.load %arg21[%swap3A_418, %swap3A_419, %swap3A_420] : memref<8x8x1024xf32, #tpu.memory_space<vmem>>, vector<1x8x1024xf32>
    %swap3A_422 = vector.shape_cast %swap3A_421 : vector<1x8x1024xf32> to vector<8x1024xf32>
    %swap3A_423 = vector.shape_cast %add3A_417 : vector<8x1024xf32> to vector<1x8x1024xf32>
    tpu.vector_store %arg21[%swap3A_418, %swap3A_419, %swap3A_420], %swap3A_423 {strides = array<i32>} : memref<8x8x1024xf32, #tpu.memory_space<vmem>>, vector<1x8x1024xf32>,
    %get3A_424 = arith.constant 7 : index
    %get3A_425 = arith.constant 0 : index
    %get3A_426 = arith.constant 0 : index
    %get3A_427 = vector.load %arg4[%get3A_424, %get3A_425, %get3A_426] : memref<8x8x1024xf32, #tpu.memory_space<vmem>>, vector<1x8x1024xf32>
    %get3A_428 = vector.shape_cast %get3A_427 : vector<1x8x1024xf32> to vector<8x1024xf32>
    %get3A_429 = arith.constant 0 : index
    %get3A_430 = arith.constant 0 : index
    %get3A_431 = arith.constant 0 : index
    %get3A_432 = vector.load %arg20[%get3A_429, %get3A_430, %get3A_431] : memref<1x8x1024xf32, #tpu.memory_space<vmem>>, vector<1x8x1024xf32>
    %get3A_433 = vector.shape_cast %get3A_432 : vector<1x8x1024xf32> to vector<8x1024xf32>
    %sub3A_434 = arith.subf %get3A_433, %get3A_428 : vector<8x1024xf32>
    %exp3A_435 = math.exp %sub3A_434 : vector<8x1024xf32>
    %mul3A_436 = vector.broadcast %sub3A_399 : f32 to vector<8x1024xf32>
    %mul3A_437 = arith.mulf %mul3A_436, %exp3A_435 : vector<8x1024xf32>
    %add3A_438 = vector.broadcast %bitcast_convert_type3A_397 : f32 to vector<8x1024xf32>
    %add3A_439 = arith.addf %add3A_438, %mul3A_437 : vector<8x1024xf32>
    %log3A_440 = math.log %add3A_439 : vector<8x1024xf32>
    %add3A_441 = arith.addf %get3A_428, %log3A_440 : vector<8x1024xf32>
    %swap3A_442 = arith.constant 7 : index
    %swap3A_443 = arith.constant 0 : index
    %swap3A_444 = arith.constant 0 : index
    %swap3A_445 = vector.load %arg22[%swap3A_442, %swap3A_443, %swap3A_444] : memref<8x8x1024xf32, #tpu.memory_space<vmem>>, vector<1x8x1024xf32>
    %swap3A_446 = vector.shape_cast %swap3A_445 : vector<1x8x1024xf32> to vector<8x1024xf32>
    %swap3A_447 = vector.shape_cast %add3A_441 : vector<8x1024xf32> to vector<1x8x1024xf32>
    tpu.vector_store %arg22[%swap3A_442, %swap3A_443, %swap3A_444], %swap3A_447 {strides = array<i32>} : memref<8x8x1024xf32, #tpu.memory_space<vmem>>, vector<1x8x1024xf32>,
    return
  }
  func.func @transform_0(%arg0: i32, %arg1: memref<4096xi32, #tpu.memory_space<smem>>, %arg2: memref<4096xi32, #tpu.memory_space<smem>>) -> (i32, i32, i32) {
    %c0_i32 = arith.constant 0 : i32
    %c0_i32_0 = arith.constant 0 : i32
    %c0_i32_1 = arith.constant 0 : i32
    return %arg0, %c0_i32, %c0_i32_0 : i32, i32, i32
  }
  func.func @transform_1(%arg0: i32, %arg1: memref<4096xi32, #tpu.memory_space<smem>>, %arg2: memref<4096xi32, #tpu.memory_space<smem>>) -> (i32, i32, i32) {
    %c0_i32 = arith.constant 0 : i32
    %c0_i32_0 = arith.constant 0 : i32
    %c0_i32_1 = arith.constant 0 : i32
    return %arg0, %c0_i32, %c0_i32_0 : i32, i32, i32
  }
  func.func @transform_2(%arg0: i32, %arg1: memref<4096xi32, #tpu.memory_space<smem>>, %arg2: memref<4096xi32, #tpu.memory_space<smem>>) -> (i32, i32, i32) {
    %mul3A = arith.constant 8 : i32
    %mul3A_0 = arith.muli %arg0, %mul3A : i32
    %add3A = arith.constant 0 : i32
    %add3A_1 = arith.addi %mul3A_0, %add3A : i32
    %get3A = arith.index_cast %add3A_1 : i32 to index
    %get3A_2 = memref.load %arg1[%get3A] : memref<4096xi32, #tpu.memory_space<smem>>
    %c0_i32 = arith.constant 0 : i32
    %c0_i32_3 = arith.constant 0 : i32
    %c0_i32_4 = arith.constant 0 : i32
    return %get3A_2, %c0_i32, %c0_i32_3 : i32, i32, i32
  }
  func.func @transform_3(%arg0: i32, %arg1: memref<4096xi32, #tpu.memory_space<smem>>, %arg2: memref<4096xi32, #tpu.memory_space<smem>>) -> (i32, i32, i32) {
    %mul3A = arith.constant 8 : i32
    %mul3A_0 = arith.muli %arg0, %mul3A : i32
    %add3A = arith.constant 1 : i32
    %add3A_1 = arith.addi %mul3A_0, %add3A : i32
    %get3A = arith.index_cast %add3A_1 : i32 to index
    %get3A_2 = memref.load %arg1[%get3A] : memref<4096xi32, #tpu.memory_space<smem>>
    %c0_i32 = arith.constant 0 : i32
    %c0_i32_3 = arith.constant 0 : i32
    %c0_i32_4 = arith.constant 0 : i32
    return %get3A_2, %c0_i32, %c0_i32_3 : i32, i32, i32
  }
  func.func @transform_4(%arg0: i32, %arg1: memref<4096xi32, #tpu.memory_space<smem>>, %arg2: memref<4096xi32, #tpu.memory_space<smem>>) -> (i32, i32, i32) {
    %mul3A = arith.constant 8 : i32
    %mul3A_0 = arith.muli %arg0, %mul3A : i32
    %add3A = arith.constant 2 : i32
    %add3A_1 = arith.addi %mul3A_0, %add3A : i32
    %get3A = arith.index_cast %add3A_1 : i32 to index
    %get3A_2 = memref.load %arg1[%get3A] : memref<4096xi32, #tpu.memory_space<smem>>
    %c0_i32 = arith.constant 0 : i32
    %c0_i32_3 = arith.constant 0 : i32
    %c0_i32_4 = arith.constant 0 : i32
    return %get3A_2, %c0_i32, %c0_i32_3 : i32, i32, i32
  }
  func.func @transform_5(%arg0: i32, %arg1: memref<4096xi32, #tpu.memory_space<smem>>, %arg2: memref<4096xi32, #tpu.memory_space<smem>>) -> (i32, i32, i32) {
    %mul3A = arith.constant 8 : i32
    %mul3A_0 = arith.muli %arg0, %mul3A : i32
    %add3A = arith.constant 3 : i32
    %add3A_1 = arith.addi %mul3A_0, %add3A : i32
    %get3A = arith.index_cast %add3A_1 : i32 to index
    %get3A_2 = memref.load %arg1[%get3A] : memref<4096xi32, #tpu.memory_space<smem>>
    %c0_i32 = arith.constant 0 : i32
    %c0_i32_3 = arith.constant 0 : i32
    %c0_i32_4 = arith.constant 0 : i32
    return %get3A_2, %c0_i32, %c0_i32_3 : i32, i32, i32
  }
  func.func @transform_6(%arg0: i32, %arg1: memref<4096xi32, #tpu.memory_space<smem>>, %arg2: memref<4096xi32, #tpu.memory_space<smem>>) -> (i32, i32, i32) {
    %mul3A = arith.constant 8 : i32
    %mul3A_0 = arith.muli %arg0, %mul3A : i32
    %add3A = arith.constant 4 : i32
    %add3A_1 = arith.addi %mul3A_0, %add3A : i32
    %get3A = arith.index_cast %add3A_1 : i32 to index
    %get3A_2 = memref.load %arg1[%get3A] : memref<4096xi32, #tpu.memory_space<smem>>
    %c0_i32 = arith.constant 0 : i32
    %c0_i32_3 = arith.constant 0 : i32
    %c0_i32_4 = arith.constant 0 : i32
    return %get3A_2, %c0_i32, %c0_i32_3 : i32, i32, i32
  }
  func.func @transform_7(%arg0: i32, %arg1: memref<4096xi32, #tpu.memory_space<smem>>, %arg2: memref<4096xi32, #tpu.memory_space<smem>>) -> (i32, i32, i32) {
    %mul3A = arith.constant 8 : i32
    %mul3A_0 = arith.muli %arg0, %mul3A : i32
    %add3A = arith.constant 5 : i32
    %add3A_1 = arith.addi %mul3A_0, %add3A : i32
    %get3A = arith.index_cast %add3A_1 : i32 to index
    %get3A_2 = memref.load %arg1[%get3A] : memref<4096xi32, #tpu.memory_space<smem>>
    %c0_i32 = arith.constant 0 : i32
    %c0_i32_3 = arith.constant 0 : i32
    %c0_i32_4 = arith.constant 0 : i32
    return %get3A_2, %c0_i32, %c0_i32_3 : i32, i32, i32
  }
  func.func @transform_8(%arg0: i32, %arg1: memref<4096xi32, #tpu.memory_space<smem>>, %arg2: memref<4096xi32, #tpu.memory_space<smem>>) -> (i32, i32, i32) {
    %mul3A = arith.constant 8 : i32
    %mul3A_0 = arith.muli %arg0, %mul3A : i32
    %add3A = arith.constant 6 : i32
    %add3A_1 = arith.addi %mul3A_0, %add3A : i32
    %get3A = arith.index_cast %add3A_1 : i32 to index
    %get3A_2 = memref.load %arg1[%get3A] : memref<4096xi32, #tpu.memory_space<smem>>
    %c0_i32 = arith.constant 0 : i32
    %c0_i32_3 = arith.constant 0 : i32
    %c0_i32_4 = arith.constant 0 : i32
    return %get3A_2, %c0_i32, %c0_i32_3 : i32, i32, i32
  }
  func.func @transform_9(%arg0: i32, %arg1: memref<4096xi32, #tpu.memory_space<smem>>, %arg2: memref<4096xi32, #tpu.memory_space<smem>>) -> (i32, i32, i32) {
    %mul3A = arith.constant 8 : i32
    %mul3A_0 = arith.muli %arg0, %mul3A : i32
    %add3A = arith.constant 7 : i32
    %add3A_1 = arith.addi %mul3A_0, %add3A : i32
    %get3A = arith.index_cast %add3A_1 : i32 to index
    %get3A_2 = memref.load %arg1[%get3A] : memref<4096xi32, #tpu.memory_space<smem>>
    %c0_i32 = arith.constant 0 : i32
    %c0_i32_3 = arith.constant 0 : i32
    %c0_i32_4 = arith.constant 0 : i32
    return %get3A_2, %c0_i32, %c0_i32_3 : i32, i32, i32
  }
  func.func @transform_10(%arg0: i32, %arg1: memref<4096xi32, #tpu.memory_space<smem>>, %arg2: memref<4096xi32, #tpu.memory_space<smem>>) -> (i32, i32, i32) {
    %mul3A = arith.constant 8 : i32
    %mul3A_0 = arith.muli %arg0, %mul3A : i32
    %add3A = arith.constant 0 : i32
    %add3A_1 = arith.addi %mul3A_0, %add3A : i32
    %get3A = arith.index_cast %add3A_1 : i32 to index
    %get3A_2 = memref.load %arg1[%get3A] : memref<4096xi32, #tpu.memory_space<smem>>
    %c0_i32 = arith.constant 0 : i32
    %c0_i32_3 = arith.constant 0 : i32
    %c0_i32_4 = arith.constant 0 : i32
    return %get3A_2, %c0_i32, %c0_i32_3 : i32, i32, i32
  }
  func.func @transform_11(%arg0: i32, %arg1: memref<4096xi32, #tpu.memory_space<smem>>, %arg2: memref<4096xi32, #tpu.memory_space<smem>>) -> (i32, i32, i32) {
    %mul3A = arith.constant 8 : i32
    %mul3A_0 = arith.muli %arg0, %mul3A : i32
    %add3A = arith.constant 1 : i32
    %add3A_1 = arith.addi %mul3A_0, %add3A : i32
    %get3A = arith.index_cast %add3A_1 : i32 to index
    %get3A_2 = memref.load %arg1[%get3A] : memref<4096xi32, #tpu.memory_space<smem>>
    %c0_i32 = arith.constant 0 : i32
    %c0_i32_3 = arith.constant 0 : i32
    %c0_i32_4 = arith.constant 0 : i32
    return %get3A_2, %c0_i32, %c0_i32_3 : i32, i32, i32
  }
  func.func @transform_12(%arg0: i32, %arg1: memref<4096xi32, #tpu.memory_space<smem>>, %arg2: memref<4096xi32, #tpu.memory_space<smem>>) -> (i32, i32, i32) {
    %mul3A = arith.constant 8 : i32
    %mul3A_0 = arith.muli %arg0, %mul3A : i32
    %add3A = arith.constant 2 : i32
    %add3A_1 = arith.addi %mul3A_0, %add3A : i32
    %get3A = arith.index_cast %add3A_1 : i32 to index
    %get3A_2 = memref.load %arg1[%get3A] : memref<4096xi32, #tpu.memory_space<smem>>
    %c0_i32 = arith.constant 0 : i32
    %c0_i32_3 = arith.constant 0 : i32
    %c0_i32_4 = arith.constant 0 : i32
    return %get3A_2, %c0_i32, %c0_i32_3 : i32, i32, i32
  }
  func.func @transform_13(%arg0: i32, %arg1: memref<4096xi32, #tpu.memory_space<smem>>, %arg2: memref<4096xi32, #tpu.memory_space<smem>>) -> (i32, i32, i32) {
    %mul3A = arith.constant 8 : i32
    %mul3A_0 = arith.muli %arg0, %mul3A : i32
    %add3A = arith.constant 3 : i32
    %add3A_1 = arith.addi %mul3A_0, %add3A : i32
    %get3A = arith.index_cast %add3A_1 : i32 to index
    %get3A_2 = memref.load %arg1[%get3A] : memref<4096xi32, #tpu.memory_space<smem>>
    %c0_i32 = arith.constant 0 : i32
    %c0_i32_3 = arith.constant 0 : i32
    %c0_i32_4 = arith.constant 0 : i32
    return %get3A_2, %c0_i32, %c0_i32_3 : i32, i32, i32
  }
  func.func @transform_14(%arg0: i32, %arg1: memref<4096xi32, #tpu.memory_space<smem>>, %arg2: memref<4096xi32, #tpu.memory_space<smem>>) -> (i32, i32, i32) {
    %mul3A = arith.constant 8 : i32
    %mul3A_0 = arith.muli %arg0, %mul3A : i32
    %add3A = arith.constant 4 : i32
    %add3A_1 = arith.addi %mul3A_0, %add3A : i32
    %get3A = arith.index_cast %add3A_1 : i32 to index
    %get3A_2 = memref.load %arg1[%get3A] : memref<4096xi32, #tpu.memory_space<smem>>
    %c0_i32 = arith.constant 0 : i32
    %c0_i32_3 = arith.constant 0 : i32
    %c0_i32_4 = arith.constant 0 : i32
    return %get3A_2, %c0_i32, %c0_i32_3 : i32, i32, i32
  }
  func.func @transform_15(%arg0: i32, %arg1: memref<4096xi32, #tpu.memory_space<smem>>, %arg2: memref<4096xi32, #tpu.memory_space<smem>>) -> (i32, i32, i32) {
    %mul3A = arith.constant 8 : i32
    %mul3A_0 = arith.muli %arg0, %mul3A : i32
    %add3A = arith.constant 5 : i32
    %add3A_1 = arith.addi %mul3A_0, %add3A : i32
    %get3A = arith.index_cast %add3A_1 : i32 to index
    %get3A_2 = memref.load %arg1[%get3A] : memref<4096xi32, #tpu.memory_space<smem>>
    %c0_i32 = arith.constant 0 : i32
    %c0_i32_3 = arith.constant 0 : i32
    %c0_i32_4 = arith.constant 0 : i32
    return %get3A_2, %c0_i32, %c0_i32_3 : i32, i32, i32
  }
  func.func @transform_16(%arg0: i32, %arg1: memref<4096xi32, #tpu.memory_space<smem>>, %arg2: memref<4096xi32, #tpu.memory_space<smem>>) -> (i32, i32, i32) {
    %mul3A = arith.constant 8 : i32
    %mul3A_0 = arith.muli %arg0, %mul3A : i32
    %add3A = arith.constant 6 : i32
    %add3A_1 = arith.addi %mul3A_0, %add3A : i32
    %get3A = arith.index_cast %add3A_1 : i32 to index
    %get3A_2 = memref.load %arg1[%get3A] : memref<4096xi32, #tpu.memory_space<smem>>
    %c0_i32 = arith.constant 0 : i32
    %c0_i32_3 = arith.constant 0 : i32
    %c0_i32_4 = arith.constant 0 : i32
    return %get3A_2, %c0_i32, %c0_i32_3 : i32, i32, i32
  }
  func.func @transform_17(%arg0: i32, %arg1: memref<4096xi32, #tpu.memory_space<smem>>, %arg2: memref<4096xi32, #tpu.memory_space<smem>>) -> (i32, i32, i32) {
    %mul3A = arith.constant 8 : i32
    %mul3A_0 = arith.muli %arg0, %mul3A : i32
    %add3A = arith.constant 7 : i32
    %add3A_1 = arith.addi %mul3A_0, %add3A : i32
    %get3A = arith.index_cast %add3A_1 : i32 to index
    %get3A_2 = memref.load %arg1[%get3A] : memref<4096xi32, #tpu.memory_space<smem>>
    %c0_i32 = arith.constant 0 : i32
    %c0_i32_3 = arith.constant 0 : i32
    %c0_i32_4 = arith.constant 0 : i32
    return %get3A_2, %c0_i32, %c0_i32_3 : i32, i32, i32
  }
  func.func @transform_18(%arg0: i32, %arg1: memref<4096xi32, #tpu.memory_space<smem>>, %arg2: memref<4096xi32, #tpu.memory_space<smem>>) -> (i32, i32, i32) {
    %c0_i32 = arith.constant 0 : i32
    %c0_i32_0 = arith.constant 0 : i32
    %c0_i32_1 = arith.constant 0 : i32
    return %arg0, %c0_i32, %c0_i32_0 : i32, i32, i32
  }
  func.func @transform_19(%arg0: i32, %arg1: memref<4096xi32, #tpu.memory_space<smem>>, %arg2: memref<4096xi32, #tpu.memory_space<smem>>) -> (i32, i32, i32) {
    %c0_i32 = arith.constant 0 : i32
    %c0_i32_0 = arith.constant 0 : i32
    %c0_i32_1 = arith.constant 0 : i32
    return %arg0, %c0_i32, %c0_i32_0 : i32, i32, i32
  }
}

</mosaic_0001>

<sc_bundles>
// kernel: sparse-core-data-format-call.1.cloned.1.call-start
scs
called_computation.1_lowered:
.L_overlay_start_0:
0x0: {  	s2 =	sld [smem:$0x3FD9]  }
0x1: {  	s3 =	sld [smem:$0x3FFE];
	_ =	sdelay $0x1  }
0x2: {  	s1 =	srdreg.scid  }
0x3: {  	s0 =	sand.u32 $0x1, s1  }
0x4: {  	s16 =	sshll.u32 s0, $0xA;
	s2 =	sadd.s32 s3, s2  }
0x5: {  	s2 =	sadd.s32 s2, s16  }
0x6: {  	[smem:$0x3FC6] =	sst s2  }
0x7: {  	_ = 	snop  }
0x8: {  	s2 =	sld [smem:$0x3FD0];
	_ =	sdelay $0x2  }
0x9: {  	s17 =	simm.s32 $0xB;
	s4 =	simm.s32 $0x10  }
0xa: {  	[smem:s4], [sflag:s17] =	dma.local [hbm:s2], $0x1  }
0xb: {  	_ =	swait.eq [sflag:s17], $0x1  }
0xc: {  	[sflag:s17] =	ssyncset.done $0x0  }
0xd: {  	[sflag:s17] =	ssyncadd.s32 $0xFFFFFFFF  }
0xe: {  	s18 =	sld [smem:$0x10];
	(tm) =	ssettm $0x1  }
0xf: {  	s19 =	sld [smem:$0x3FFB];
	_ =	sdelay $0x3  }
0x10: {  	_ =	strace s19  }
0x11: {  	s2 =	sld [smem:$0x3FFC];
	_ =	sdelay $0x3  }
0x12: {  	_ =	strace s2  }
0x13: {  	s2 =	sld [smem:$0x3FFD];
	_ =	sdelay $0x3  }
0x14: {  	_ =	strace s2  }
0x15: {  	_ =	strace $0x8FFFFFFF  }
0x16: {  	s20 =	sld [smem:$0x3FDB];
	_ =	sdelay $0x1  }
0x17: {  	s21 =	simm.s32 $_scs_section_size  }
0x18: {  	s5 =	simm.s32 $_size__tile_overlayer_lowered;
	s6 =	simm.s32 $_tile_overlayer_lowered  }
0x19: {  	s7 =	simm.s32 $0x1BFF;
	s22 =	sshll.u32 s6, $0x1;
	s4 =	sadd.s32 s21, s20  }
0x1a: {  	s23 =	simm.s32 $0x0;
	s5 =	sshll.u32 s5, $0x1;
	s6 =	sadd.s32 s22, s4  }
0x1b: {  	[timem:s23], [sflag:s7] =	dma.local [hbm:s6], s5  }
0x1c: {  	_ =	swait.ge [sflag:s7], s5  }
0x1d: {  	s5 =	ssub.s32 $0x0, s5;
	[sflag:s7] =	ssyncset.done $0x0  }
0x1e: {  	[sflag:s7] =	ssyncadd.s32 s5;
	_ =	sdelay $0x1  }
0x1f: {  	s24 =	simm.s32 $0x1B8B  }
0x20: {  	_ =	swait.ge [sflag:s24], $0x1  }
0x21: {  	[sflag:s24] =	ssyncset.done $0x0  }
0x22: {  	[sflag:s24] =	ssyncadd.s32 $0xFFFFFFFF  }
0x23: {  	s5 =	sld [smem:$0x0]  }
0x24: {  	s6 =	sand.u32 $0xFFFFFFFE, s1  }
0x25: {  	p0 =	sne.s32 s1, s6  }
0x26: {  	s6 =	sshll.u32 @p0 s6, $0xE  }
0x27: {  	s6 =	sadd.s32 @p0 $0x11B8D, s6;
	s7 =	sshll.u32 @p0 s5, $0x11  }
0x28: {  	s6 =	sor.u32 @p0 s7, s6  }
0x29: {  	[sflag:s6] =	ssyncadd.remote.s32 @p0 $0x1;
	_ =	sdelay $0x1  }
0x2a: {  	s6 =	simm.s32 @p0 $0x1B8D  }
0x2b: {  	_ =	swait.eq @p0 [sflag:s6], $0x1  }
0x2c: {  	[sflag:s6] =	ssyncadd.s32 @p0 $0xFFFFFFFF  }
0x2d: {  	s7 =	sshll.u32 @!p0 s1, $0xE  }
0x2e: {  	s7 =	sor.u32 @!p0 $0x4000, s7;
	s6 =	simm.s32 @!p0 $0x1B8D  }
0x2f: {  	s5 =	sshll.u32 @!p0 s5, $0x11;
	s7 =	sadd.s32 @!p0 $0x11B8D, s7;
	_ =	swait.eq @!p0 [sflag:s6], $0x1  }
0x30: {  	s5 =	sor.u32 @!p0 s5, s7;
	[sflag:s6] =	ssyncadd.s32 @!p0 $0xFFFFFFFF  }
0x31: {  	s26 =	simm.s32 $0x1B8E;
	s25 =	sld [smem:$0x3FFE];
	[sflag:s5] =	ssyncadd.remote.s32 @!p0 $0x1  }
0x32: {  	s27 =	simm.s32 $execute0_lowered;
	[smem:$0x3FD2] =	sst s26  }
0x33: {  	s6 =	sshll.u32 s27, $0x1;
	_ =	strace $0x8000004F;
	[dreg:$0x1] =	wrdreg $0xFFFFFFFF  }
0x34: {  	s28 =	simm.s32 $_size_execute0_lowered;
	s4 =	sadd.s32 s4, s6;
	[dreg:$0x0] =	wrdreg $0x0  }
0x35: {  	s6 =	sshll.u32 s28, $0x1;
	[dreg:$0x2] =	wrdreg s4  }
0x36: {  	[dreg:$0x3] =	wrdreg s6  }
0x37: {  	[dreg:$0x4] =	wrdreg $0xC0  }
0x38: {  	_ =	task [dreg:s23], $0x5FFFF  }
0x39: {  	[dreg:$0x1] =	wrdreg $0xFFFFFFFF  }
0x3a: {  	[dreg:$0x0] =	wrdreg $0x60  }
0x3b: {  	[dreg:$0x2] =	wrdreg s25  }
0x3c: {  	[dreg:$0x3] =	wrdreg s18  }
0x3d: {  	[dreg:$0x4] =	wrdreg $0xA  }
0x3e: {  	_ =	task.clear_ibuf [dreg:s23], $0x5FFFF;
	_ =	strace $0x9000004F  }
0x3f: {  	s29 =	simm.s32 $0xA;
	_ =	strace $0x80000051  }
0x40: {  	_ =	swait.ge [sflag:s29], $0x1  }
0x41: {  	[sflag:s29] =	ssyncadd.s32 $0xFFFFFFFF  }
0x42: {  	_ =	strace $0x90000051  }
0x43: {  	_ =	sfence  }
0x44: {  	s30 =	sld [smem:$0x0];
	_ =	sdelay $0x2  }
0x45: {  	s31 =	sshll.u32 s1, $0xD;
	s1 =	sshrl.u32 s1, $0x2  }
0x46: {  	s4 =	sand.u32 $0x4000, s31;
	s1 =	sadd.s32 s1, s30  }
0x47: {  	s0 =	sor.u32 s4, s0;
	s1 =	sshll.u32 s1, $0x11  }
0x48: {  	s0 =	sor.u32 s1, s0  }
0x49: {  	s0 =	sadd.s32 $0x8F2B, s0  }
0x4a: {  	[sflag:s0] =	ssyncadd.remote.s32 $0x1  }
0x4b: {  	_ =	sfence.sel $0xFFFF  }
0x4c: {  	[dreg:$0x0] =	wrdreg $0xFFFFFFFF;
	(pc) =	sbr.abs _section_cstart, $3  }
0x4d: {  	[dreg:$0x1] =	wrdreg $0xFFFFFFFF  }
0x4e: {  	_ =	task.clear_ibuf [dreg:s23], $0x2FFFF;
	_ =	strace $0x9FFFFFFF  }
0x4f: {  	(tm) =	ssettm $0x7FFFFFFF  }
tec
execute0_lowered:
.L_overlay_start_1:
0x0: {  	(tag) =	ssettag $0x1  }
0x1: {  	s1 =	rddreg [dreg:$0x0]  }
0x2: {  	s2 =	rddreg [dreg:$0x1]  }
0x3: {  	s0 =	rddreg [dreg:$0x2]  }
0x4: {  	_ =	strace $0x80000050;
	s4 =	srdreg.scid;
	s6 =	simm.s32 $0x2  }
0x5: {  	s12 =	simm.s32 $0x0;
	p0 =	por $0x0, $0x0;
	s13 =	simm.s32 $0x0  }
0x6: {  	s15 =	simm.s32 $0x0;
	s14 =	simm.s32 $0x0;
	s8 =	simm.s32 $0x0  }
.Ltmp0:
0x7: {  	s9 =	simm.s32 $0x0;
	s10 =	simm.s32 $0x0;
	(pc) =	sbr.rel .LBB1_1-.Ltmp0, $4  }
0x8: {  	s7 =	simm.s32 $0x0;
	s3 =	sadd.s32 $0x403200, s1;
	s5 =	sshll.u32 s4, $0x4  }
0x9: {  	s1 =	stileid.u32;
	s4 =	simm.s32 $0x1;
	s5 =	sand.u32 $0x10, s5  }
0xa: {  	s21 =	simm.s32 $0x0;
	[sflag:s4] =	ssyncpa.u1 $0x0;
	s5 =	sor.u32 s1, s5  }
0xb: {  	[sflag:s6] =	ssyncpa.u1 $0x0;
	s6 =	simm.s32 $0x2000;
	s11 =	smov.u32 s5  }
.LBB1_7:
0xc: {  	s16 =	sadd.s32 $0x100, s8  }
0xd: {  	s12 =	sadd.s32 $0x8, s9;
	s17 =	smov.u32 s9;
	p2 =	sgt.s32 s16, $0x3FF  }
0xe: {  	s17 =	smov.u32 @p2 s12  }
0xf: {  	s18 =	smov.u32 s10;
	s12 =	sadd.s32 $0x8, s10;
	p3 =	sgt.s32 s17, $0x7  }
0x10: {  	s18 =	smov.u32 @p3 s12  }
0x11: {  	s19 =	smov.u32 s11;
	s12 =	sadd.s32 $0x20, s11;
	p4 =	sgt.s32 s18, $0x7  }
0x12: {  	p1 =	slt.u32 s7, $0x2;
	s19 =	smov.u32 @p4 s12  }
0x13: {  	s7 =	sadd.s32 $0x1, s7;
	s16 =	simm.s32 @p2 $0x0;
	p2 =	sgt.s32 s19, $0x1FF  }
0x14: {  	s20 =	simm.s32 @!p1 $0x2;
	s19 =	smov.u32 @p2 s5;
	p2 =	sne.s32 s7, $0x42  }
.Ltmp1:
0x15: {  	s13 =	smov.u32 s9;
	_ =	swait.ge @!p1 [sflag:s20], $0x4000;
	(pc) =	sbr.rel @!p2 .LBB1_8-.Ltmp1, $4  }
0x16: {  	s15 =	smov.u32 s10;
	s14 =	smov.u32 s11;
	[sflag:s20] =	ssyncset.done @!p1 $0x0  }
0x17: {  	p0 =	por !p0, !p0;
	s17 =	simm.s32 @p3 $0x0;
	[sflag:s20] =	ssyncadd.s32 @!p1 $0xFFFFC000  }
0x18: {  	s9 =	smov.u32 s17;
	s18 =	simm.s32 @p4 $0x0;
	s12 =	smov.u32 s8  }
0x19: {  	s8 =	smov.u32 s16;
	s10 =	smov.u32 s18;
	s11 =	smov.u32 s19  }
.LBB1_1:
0x1a: {  	p1 =	sgt.u32 s7, $0x3F  }
0x1b: {  	s16 =	sxor.u32 @!p1 $0xFFFFFFFF, s7  }
0x1c: {  	s17 =	sshll.u32 @!p1 s9, $0x7;
	s18 =	sand.u32 @!p1 $0x78, s8;
	s19 =	sshll.u32 @!p1 s11, $0xD  }
0x1d: {  	s20 =	sand.u32 @!p1 $0x380, s8;
	s16 =	sshll.u32 @!p1 s16, $0xE;
	s17 =	sand.u32 @!p1 $0x380, s17  }
0x1e: {  	s19 =	sadd.s32 @!p1 s3, s19;
	s17 =	sor.u32 @!p1 s18, s17;
	s18 =	sshll.u32 @!p1 s10, $0xA  }
0x1f: {  	s16 =	sand.u32 @!p1 $0x4000, s16;
	s18 =	sadd.s32 @!p1 s18, s19;
	s19 =	sand.u32 @!p1 $0x7, s8  }
0x20: {  	s17 =	sshrl.u32 @!p1 s17, $0x3;
	s18 =	sadd.s32 @!p1 s20, s18;
	s19 =	sshll.u32 @!p1 s19, $0x12  }
0x21: {  	s17 =	sadd.s32 @!p1 s17, s18;
	s18 =	sor.u32 @!p1 $0x800, s19;
	s19 =	simm.s32 @!p1 $0x2000  }
0x22: {  	[tilespmem:s16], [sflag:$0x1] =	stream.strided.gather @!p1 [hbm4b:s17+s18], $0x4000, s19, s18, $0x38;
	[tilespmem:$0x10000] =	vst v63  }
0x23: {  	p1 =	seq.s32 s7, $0x0  }
0x24: {  	p2 =	seq.s32 @!p1 s7, $0x41  }
0x25: {  	p1 =	por p1, p2  }
.Ltmp2:
0x26: {  	_ = 	snop;
	(pc) =	sbr.rel @p1 .LBB1_7-.Ltmp2, $1  }
0x27: {  	_ =	sdelay $0x3  }
0x28: {  	s16 =	simm.s32 $0x1  }
0x29: {  	_ =	swait.ge [sflag:s4], $0x4000;
	s31 =	sshll.u32 s7, $0xE;
	p1 =	por $0x0, $0x0  }
0x2a: {  	s22 =	simm.s32 $0x0;
	s23 =	simm.s32 $0x0;
	s16 =	simm.s32 @!p0 $0x0  }
0x2b: {  	[sflag:s4] =	ssyncset.done $0x0;
	s19 =	sand.u32 $0x4000, s31;
	s16 =	sshll.u32 s16, $0x10  }
0x2c: {  	[sflag:s4] =	ssyncadd.s32 $0xFFFFC000;
	s20 =	sshrl.u32 s16, $0x2;
	s16 =	sor.u32 $0x8000, s19  }
0x2d: {  	s17 =	sor.u32 $0x40, s20;
	s18 =	sor.u32 $0x8410, s20;
	s20 =	sadd.s32 $0x8400, s20  }
.LBB1_3:
0x2e: {  	v1 =	vld [tilespmem:s17+$0xFFFFFFD0]  }
0x2f: {  	v2 =	vld [tilespmem:s17+$0x430]  }
0x30: {  	s24 =	sshll.u32 s23, $0xB;
	v4 =	vld [tilespmem:s17+$0xFFFFFFE0]  }
0x31: {  	v7 =	vld [tilespmem:s17+$0xFFFFFFF0];
	v0 =	vmov s24  }
0x32: {  	v8 =	vld [tilespmem:s17+$0x0]  }
0x33: {  	s30 =	sand.u32 $0x300, s21;
	v9 =	vld [tilespmem:s17+$0x10]  }
0x34: {  	s25 =	sand.u32 $0x80, s21;
	v10 =	vld [tilespmem:s17+$0x20];
	s24 =	sadd.s32 s30, s19  }
0x35: {  	v11 =	vld [tilespmem:s17+$0x30];
	s24 =	sadd.s32 s25, s24;
	s25 =	simm.s32 $0x1;
	[tilespmem:s18+$0x60] =	vst v2  }
0x36: {  	s31 =	sshll.u32 s22, $0x2;
	s25 =	simm.s32 @!p1 $0x0;
	[tilespmem:s18+$0xFFFFFC00] =	vst v1;
	v3 =	vld.idx.msk [tilespmem:v0+s24+$0x400 ss:$0x1], $0xffff  }
0x37: {  	v6 =	vld [tilespmem:s17+$0x3D0];
	s25 =	sshll.u32 s25, $0x9;
	[tilespmem:s18+$0xFFFFFC10] =	vst v4;
	s24 =	sand.u32 $0xFFFFFC00, s31  }
0x38: {  	v5 =	vld [tilespmem:s17+$0x3E0];
	[tilespmem:s18+$0xFFFFFC20] =	vst v7;
	s24 =	sor.u32 s25, s24  }
0x39: {  	[tilespmem:s18+$0xFFFFFC30] =	vst v8;
	v4 =	vld [tilespmem:s17+$0x400];
	s24 =	sshrl.u32 s24, $0x2  }
0x3a: {  	[tilespmem:s18+$0xFFFFFC40] =	vst v9;
	v1 =	vld [tilespmem:s17+$0x410];
	s24 =	sadd.s32 s24, s20  }
0x3b: {  	[tilespmem:s24+$0x0] =	vst v3;
	v3 =	vld [tilespmem:s17+$0x3F0]  }
0x3c: {  	s28 =	simm.s32 $0x80;
	s27 =	simm.s32 $0x100;
	[tilespmem:s18+$0xFFFFFC50] =	vst v10;
	v2 =	vld [tilespmem:s17+$0x420]  }
0x3d: {  	s26 =	smov.u32 s18;
	s29 =	sand.u32 $0x300, s28;
	v7 =	vld [tilespmem:s17+$0xFFFFFFC0];
	[tilespmem:s18+$0xFFFFFC60] =	vst v11;
	s25 =	sadd.s32 $0x80, s17  }
.LBB1_4:
0x3e: {  	p2 =	sne.s32 s27, $0x380;
	v8 =	vld [tilespmem:s25+$0xFFFFFFD0];
	s28 =	sand.u32 $0x80, s28;
	s29 =	sadd.s32 s29, s19;
	[tilespmem:s26+$0x0] =	vst v6  }
0x3f: {  	s29 =	sadd.s32 s28, s29;
	v6 =	vld [tilespmem:s25+$0x430];
	[tilespmem:s26+$0x10] =	vst v5;
	s28 =	smov.u32 s27  }
0x40: {  	v5 =	vld.idx.msk [tilespmem:v0+s29+$0x400 ss:$0x1], $0xffff;
	[tilespmem:s26+$0x20] =	vst v3  }
0x41: {  	v3 =	vld [tilespmem:s25+$0xFFFFFFE0];
	[tilespmem:s26+$0x30] =	vst v4  }
0x42: {  	v4 =	vld [tilespmem:s25+$0xFFFFFFF0];
	[tilespmem:s26+$0xFFFFFBF0] =	vst v7  }
0x43: {  	v7 =	vld [tilespmem:s25+$0x0];
	[tilespmem:s26+$0x40] =	vst v1  }
0x44: {  	v1 =	vld [tilespmem:s25+$0x10];
	[tilespmem:s26+$0x50] =	vst v2;
	s26 =	sadd.s32 $0x800, s26  }
0x45: {  	s24 =	sadd.s32 $0x800, s24;
	v2 =	vld [tilespmem:s25+$0x20];
	[tilespmem:s26+$0x60] =	vst v6  }
0x46: {  	v9 =	vld [tilespmem:s25+$0x30];
	[tilespmem:s24+$0x0] =	vst v5  }
0x47: {  	[tilespmem:s26+$0xFFFFFC00] =	vst v8;
	v6 =	vld [tilespmem:s25+$0x3D0]  }
0x48: {  	[tilespmem:s26+$0xFFFFFC10] =	vst v3;
	v5 =	vld [tilespmem:s25+$0x3E0]  }
.Ltmp3:
0x49: {  	[tilespmem:s26+$0xFFFFFC20] =	vst v4;
	v3 =	vld [tilespmem:s25+$0x3F0];
	(pc) =	sbr.rel @p2 .LBB1_4-.Ltmp3, $4  }
0x4a: {  	[tilespmem:s26+$0xFFFFFC30] =	vst v7;
	v4 =	vld [tilespmem:s25+$0x400]  }
0x4b: {  	[tilespmem:s26+$0xFFFFFC40] =	vst v1;
	v1 =	vld [tilespmem:s25+$0x410]  }
0x4c: {  	[tilespmem:s26+$0xFFFFFC50] =	vst v2;
	v2 =	vld [tilespmem:s25+$0x420]  }
0x4d: {  	s27 =	sadd.s32 $0x80, s27;
	s29 =	sand.u32 $0x300, s28;
	v7 =	vld [tilespmem:s25+$0xFFFFFFC0];
	[tilespmem:s26+$0xFFFFFC60] =	vst v9;
	s25 =	sadd.s32 $0x80, s25  }
0x4e: {  	[tilespmem:s26+$0x0] =	vst v6  }
0x4f: {  	[tilespmem:s26+$0x10] =	vst v5  }
0x50: {  	v49 =	vld [tilespmem:s25+$0x430];
	[tilespmem:s26+$0x20] =	vst v3  }
0x51: {  	v50 =	vld [tilespmem:s25+$0xFFFFFFD0];
	[tilespmem:s26+$0x30] =	vst v4  }
0x52: {  	v51 =	vld [tilespmem:s25+$0xFFFFFFE0];
	[tilespmem:s26+$0x40] =	vst v1  }
0x53: {  	v52 =	vld [tilespmem:s25+$0xFFFFFFF0];
	[tilespmem:s26+$0x50] =	vst v2  }
0x54: {  	s31 =	sadd.s32 $0x800, s26;
	v53 =	vld [tilespmem:s25+$0x0];
	[tilespmem:s26+$0xFFFFFBF0] =	vst v7  }
0x55: {  	v54 =	vld [tilespmem:s25+$0x10];
	[tilespmem:s31+$0x60] =	vst v49  }
0x56: {  	v55 =	vld [tilespmem:s25+$0x20];
	[tilespmem:s31+$0xFFFFFC00] =	vst v50  }
0x57: {  	v56 =	vld [tilespmem:s25+$0x30];
	[tilespmem:s31+$0xFFFFFC10] =	vst v51  }
0x58: {  	v57 =	vld [tilespmem:s25+$0x3D0];
	[tilespmem:s31+$0xFFFFFC20] =	vst v52  }
0x59: {  	v58 =	vld [tilespmem:s25+$0x3E0];
	[tilespmem:s31+$0xFFFFFC30] =	vst v53  }
0x5a: {  	v59 =	vld [tilespmem:s25+$0x3F0];
	[tilespmem:s31+$0xFFFFFC40] =	vst v54  }
0x5b: {  	v60 =	vld [tilespmem:s25+$0x400];
	[tilespmem:s31+$0xFFFFFC50] =	vst v55  }
0x5c: {  	v61 =	vld [tilespmem:s25+$0xFFFFFFC0];
	[tilespmem:s31+$0xFFFFFC60] =	vst v56  }
0x5d: {  	s27 =	sand.u32 $0x80, s28;
	s30 =	sadd.s32 s29, s19;
	v62 =	vld [tilespmem:s25+$0x410];
	[tilespmem:s31+$0x0] =	vst v57  }
0x5e: {  	v63 =	vld [tilespmem:s25+$0x420];
	s23 =	sadd.s32 $0x1, s23;
	s27 =	sadd.s32 s27, s30;
	[tilespmem:s31+$0x10] =	vst v58  }
0x5f: {  	p2 =	sne.s32 s23, $0x8;
	v0 =	vld.idx.msk [tilespmem:v0+s27+$0x400 ss:$0x1], $0xffff;
	[tilespmem:s31+$0x20] =	vst v59  }
.Ltmp4:
0x60: {  	[tilespmem:s31+$0x30] =	vst v60;
	(pc) =	sbr.rel @p2 .LBB1_3-.Ltmp4, $4  }
0x61: {  	[tilespmem:s31+$0xFFFFFBF0] =	vst v61  }
0x62: {  	[tilespmem:s31+$0x40] =	vst v62  }
0x63: {  	s24 =	sadd.s32 $0x800, s24;
	s17 =	sadd.s32 $0x800, s17;
	[tilespmem:s31+$0x50] =	vst v63  }
0x64: {  	s22 =	sadd.s32 $0x80, s22;
	p1 =	por !p1, !p1;
	s18 =	sadd.s32 $0x80, s18;
	[tilespmem:s24+$0x0] =	vst v0  }
0x65: {  	s15 =	sshll.u32 s15, $0x7;
	s17 =	sand.u32 $0x78, s12  }
0x66: {  	s14 =	sshll.u32 s14, $0xD;
	s13 =	sshll.u32 s13, $0xA;
	s29 =	sand.u32 $0x380, s12  }
.Ltmp5:
0x67: {  	s15 =	sand.u32 $0x380, s15;
	s14 =	sadd.s32 s2, s14;
	(pc) =	sbr.rel .LBB1_7-.Ltmp5, $4  }
0x68: {  	s30 =	sand.u32 $0x7, s12;
	s15 =	sor.u32 s15, s17;
	s13 =	sadd.s32 s13, s14  }
0x69: {  	s12 =	sshll.u32 s30, $0x12;
	s31 =	sshrl.u32 s15, $0x3;
	s13 =	sadd.s32 s29, s13  }
0x6a: {  	s12 =	sor.u32 $0x800, s12;
	s13 =	sadd.s32 s31, s13  }
0x6b: {  	[hbm4b:s13+s12] =	stream.strided.scatter [tilespmem:s16], [sflag:$0x2], $0x4000, s6, s12, $0x38;
	[tilespmem:$0x10000] =	vst v63  }
.LBB1_8:
0x6c: {  	_ =	sfence.sel $0x180000  }
0x6d: {  	s2 =	simm.s32 $0x1;
	[bflag:$0x0] =	sbarrier.arrive $0xFFFF  }
0x6e: {  	s31 =	simm.s32 $0x2;
	[sflag:s2] =	ssyncpa.u1 $0x1  }
0x6f: {  	[sflag:s31] =	ssyncpa.u1 $0x1  }
0x70: {  	p0 =	sne.s32 s1, $0x0;
	_ =	strace $0x90000050  }
0x71: {  	s0 =	sadd.s32 @!p0 $0x100000, s0;
	[bflag:$0x2] =	sbarrier.arrive $0xFFFF  }
0x72: {  	[sflag:s0] =	ssyncadd.tile.s32 @!p0 $0x1;
	_ =	shalt  }
.Lfunc_end1:
_tile_overlayer_lowered:
.L_overlay_start_2:
0x73: {  	(tag) =	ssettag $0x2  }
0x74: {  	s0 =	rddreg [dreg:$0x0];
	s2 =	stileid.u32  }
0x75: {  	s1 =	rddreg [dreg:$0x1];
	p0 =	sne.s32 s2, $0x0  }
0x76: {  	s3 =	rddreg [dreg:$0x2];
	[bflag:$0x3] =	sbarrier.arrive $0xFFFF;
	s2 =	simm.s32 @!p0 $0x1C01  }
0x77: {  	[timem:s3], [sflag:s2] =	dma.local @!p0 [hbm:s0], s1  }
0x78: {  	s0 =	simm.s32 @!p0 $0x1  }
0x79: {  	_ =	swait.ge @!p0 [sflag:s0], s1  }
0x7a: {  	s1 =	ssub.s32 @!p0 $0x0, s1;
	[sflag:s0] =	ssyncset.done @!p0 $0x0  }
0x7b: {  	[sflag:s0] =	ssyncadd.s32 @!p0 s1  }
0x7c: {  	[bflag:$0x3] =	sbarrier.arrive $0xFFFF  }
0x7d: {  	_ =	shalt  }

// kernel: sparse-core-data-format-call.2.cloned.1.call-start
scs
called_computation.2_lowered:
.L_overlay_start_0:
0x0: {  	s2 =	sld [smem:$0x3FD9]  }
0x1: {  	s3 =	sld [smem:$0x3FFE];
	_ =	sdelay $0x1  }
0x2: {  	s1 =	srdreg.scid  }
0x3: {  	s0 =	sand.u32 $0x1, s1  }
0x4: {  	s17 =	sshll.u32 s0, $0xA;
	s2 =	sadd.s32 s3, s2  }
0x5: {  	s2 =	sadd.s32 s2, s17  }
0x6: {  	[smem:$0x3FC6] =	sst s2  }
0x7: {  	_ = 	snop  }
0x8: {  	s18 =	sld [smem:$0x3FD0];
	_ =	sdelay $0x2  }
0x9: {  	s4 =	simm.s32 $0xB;
	s5 =	simm.s32 $0x10;
	s2 =	sld [smem:$0x3FC8]  }
0xa: {  	[smem:s5], [sflag:s4] =	dma.local [hbm:s18], $0x1  }
0xb: {  	_ =	swait.eq [sflag:s4], $0x1  }
0xc: {  	[sflag:s4] =	ssyncset.done $0x0  }
0xd: {  	[sflag:s4] =	ssyncadd.s32 $0xFFFFFFFF  }
0xe: {  	s19 =	sld [smem:$0x11];
	(tm) =	ssettm $0x1  }
0xf: {  	s20 =	sld [smem:$0x3FFB];
	_ =	sdelay $0x3  }
0x10: {  	_ =	strace s20  }
0x11: {  	s3 =	sld [smem:$0x3FFC];
	_ =	sdelay $0x3  }
0x12: {  	_ =	strace s3  }
0x13: {  	s3 =	sld [smem:$0x3FFD];
	_ =	sdelay $0x3  }
0x14: {  	_ =	strace s3  }
0x15: {  	_ =	strace $0x8FFFFFFF  }
0x16: {  	s21 =	sld [smem:$0x3FDB];
	_ =	sdelay $0x1  }
0x17: {  	s22 =	simm.s32 $_scs_section_size  }
0x18: {  	s6 =	simm.s32 $_size__tile_overlayer_lowered;
	s7 =	simm.s32 $_tile_overlayer_lowered  }
0x19: {  	s8 =	simm.s32 $0x1BFF;
	s23 =	sshll.u32 s7, $0x1;
	s5 =	sadd.s32 s22, s21  }
0x1a: {  	s24 =	simm.s32 $0x0;
	s6 =	sshll.u32 s6, $0x1;
	s7 =	sadd.s32 s23, s5  }
0x1b: {  	[timem:s24], [sflag:s8] =	dma.local [hbm:s7], s6  }
0x1c: {  	_ =	swait.ge [sflag:s8], s6  }
0x1d: {  	s6 =	ssub.s32 $0x0, s6;
	[sflag:s8] =	ssyncset.done $0x0  }
0x1e: {  	[sflag:s8] =	ssyncadd.s32 s6;
	_ =	sdelay $0x1  }
0x1f: {  	s25 =	simm.s32 $0x1B8B  }
0x20: {  	_ =	swait.ge [sflag:s25], $0x1  }
0x21: {  	[sflag:s25] =	ssyncset.done $0x0  }
0x22: {  	[sflag:s25] =	ssyncadd.s32 $0xFFFFFFFF  }
0x23: {  	s6 =	sld [smem:$0x0]  }
0x24: {  	s7 =	sand.u32 $0xFFFFFFFE, s1  }
0x25: {  	p0 =	sne.s32 s1, s7  }
0x26: {  	s7 =	sshll.u32 @p0 s7, $0xE  }
0x27: {  	s7 =	sadd.s32 @p0 $0x11B8D, s7;
	s8 =	sshll.u32 @p0 s6, $0x11  }
0x28: {  	s7 =	sor.u32 @p0 s8, s7  }
0x29: {  	[sflag:s7] =	ssyncadd.remote.s32 @p0 $0x1;
	_ =	sdelay $0x1  }
0x2a: {  	s7 =	simm.s32 @p0 $0x1B8D  }
0x2b: {  	_ =	swait.eq @p0 [sflag:s7], $0x1  }
0x2c: {  	[sflag:s7] =	ssyncadd.s32 @p0 $0xFFFFFFFF  }
0x2d: {  	s8 =	sshll.u32 @!p0 s1, $0xE  }
0x2e: {  	s8 =	sor.u32 @!p0 $0x4000, s8;
	s7 =	simm.s32 @!p0 $0x1B8D  }
0x2f: {  	s6 =	sshll.u32 @!p0 s6, $0x11;
	s8 =	sadd.s32 @!p0 $0x11B8D, s8;
	_ =	swait.eq @!p0 [sflag:s7], $0x1  }
0x30: {  	s6 =	sor.u32 @!p0 s6, s8;
	[sflag:s7] =	ssyncadd.s32 @!p0 $0xFFFFFFFF  }
0x31: {  	s26 =	simm.s32 $0x1B8E;
	[sflag:s6] =	ssyncadd.remote.s32 @!p0 $0x1  }
0x32: {  	s27 =	simm.s32 $execute0_lowered;
	[smem:$0x3FD2] =	sst s26  }
0x33: {  	s6 =	sshll.u32 s27, $0x1;
	_ =	strace $0x80000049;
	[dreg:$0x1] =	wrdreg $0xFFFFFFFF  }
0x34: {  	s28 =	simm.s32 $_size_execute0_lowered;
	s5 =	sadd.s32 s5, s6;
	[dreg:$0x0] =	wrdreg $0x0  }
0x35: {  	s6 =	sshll.u32 s28, $0x1;
	[dreg:$0x2] =	wrdreg s5  }
0x36: {  	[dreg:$0x3] =	wrdreg s6  }
0x37: {  	[dreg:$0x4] =	wrdreg $0xC0  }
0x38: {  	_ =	task [dreg:s24], $0x5FFFF  }
0x39: {  	[dreg:$0x1] =	wrdreg $0xFFFFFFFF  }
0x3a: {  	[dreg:$0x0] =	wrdreg $0x60  }
0x3b: {  	[dreg:$0x2] =	wrdreg s2  }
0x3c: {  	[dreg:$0x3] =	wrdreg s19  }
0x3d: {  	[dreg:$0x4] =	wrdreg $0x9  }
0x3e: {  	_ =	task.clear_ibuf [dreg:s24], $0x5FFFF;
	_ =	strace $0x90000049  }
0x3f: {  	s29 =	simm.s32 $0x9;
	_ =	strace $0x8000004B  }
0x40: {  	_ =	swait.ge [sflag:s29], $0x1  }
0x41: {  	[sflag:s29] =	ssyncadd.s32 $0xFFFFFFFF  }
0x42: {  	_ =	strace $0x9000004B  }
0x43: {  	_ =	sfence  }
0x44: {  	s30 =	sld [smem:$0x0];
	_ =	sdelay $0x2  }
0x45: {  	s31 =	sshll.u32 s1, $0xD;
	s1 =	sshrl.u32 s1, $0x2  }
0x46: {  	s4 =	sand.u32 $0x4000, s31;
	s1 =	sadd.s32 s1, s30  }
0x47: {  	s0 =	sor.u32 s4, s0;
	s1 =	sshll.u32 s1, $0x11  }
0x48: {  	s0 =	sor.u32 s1, s0  }
0x49: {  	s0 =	sadd.s32 $0x8F2B, s0  }
0x4a: {  	[sflag:s0] =	ssyncadd.remote.s32 $0x1  }
0x4b: {  	_ =	sfence.sel $0xFFFF  }
0x4c: {  	[dreg:$0x0] =	wrdreg $0xFFFFFFFF;
	(pc) =	sbr.abs _section_cstart, $3  }
0x4d: {  	[dreg:$0x1] =	wrdreg $0xFFFFFFFF  }
0x4e: {  	_ =	task.clear_ibuf [dreg:s24], $0x2FFFF;
	_ =	strace $0x9FFFFFFF  }
0x4f: {  	(tm) =	ssettm $0x7FFFFFFF  }
tec
execute0_lowered:
.L_overlay_start_1:
0x0: {  	(tag) =	ssettag $0x1  }
0x1: {  	s2 =	rddreg [dreg:$0x0]  }
0x2: {  	s3 =	rddreg [dreg:$0x1]  }
0x3: {  	s0 =	rddreg [dreg:$0x2];
	_ =	strace $0x8000004A;
	s4 =	srdreg.scid  }
0x4: {  	s1 =	stileid.u32;
	s6 =	simm.s32 $0x2;
	s12 =	simm.s32 $0x0  }
0x5: {  	p0 =	por $0x0, $0x0;
	s13 =	simm.s32 $0x0;
	s15 =	simm.s32 $0x0  }
.Ltmp0:
0x6: {  	s14 =	simm.s32 $0x0;
	s8 =	simm.s32 $0x0;
	(pc) =	sbr.rel .LBB1_1-.Ltmp0, $4  }
0x7: {  	s9 =	simm.s32 $0x0;
	s10 =	simm.s32 $0x0;
	s5 =	sshll.u32 s4, $0x4  }
0x8: {  	s7 =	simm.s32 $0x0;
	s4 =	simm.s32 $0x1;
	s5 =	sand.u32 $0x10, s5  }
0x9: {  	s21 =	simm.s32 $0x0;
	[sflag:s4] =	ssyncpa.u1 $0x0;
	s5 =	sor.u32 s1, s5  }
0xa: {  	[sflag:s6] =	ssyncpa.u1 $0x0;
	s6 =	simm.s32 $0x2000;
	s11 =	smov.u32 s5  }
.LBB1_7:
0xb: {  	s16 =	sadd.s32 $0x100, s8  }
0xc: {  	s12 =	sadd.s32 $0x8, s9;
	s17 =	smov.u32 s9;
	p2 =	sgt.s32 s16, $0x3FF  }
0xd: {  	s17 =	smov.u32 @p2 s12  }
0xe: {  	s18 =	smov.u32 s10;
	s12 =	sadd.s32 $0x8, s10;
	p3 =	sgt.s32 s17, $0x7  }
0xf: {  	s18 =	smov.u32 @p3 s12  }
0x10: {  	s19 =	smov.u32 s11;
	s12 =	sadd.s32 $0x20, s11;
	p4 =	sgt.s32 s18, $0x7  }
0x11: {  	p1 =	slt.u32 s7, $0x2;
	s19 =	smov.u32 @p4 s12  }
0x12: {  	s7 =	sadd.s32 $0x1, s7;
	s16 =	simm.s32 @p2 $0x0;
	p2 =	sgt.s32 s19, $0x1FF  }
0x13: {  	s20 =	simm.s32 @!p1 $0x2;
	s19 =	smov.u32 @p2 s5;
	p2 =	sne.s32 s7, $0x42  }
.Ltmp1:
0x14: {  	s13 =	smov.u32 s9;
	_ =	swait.ge @!p1 [sflag:s20], $0x4000;
	(pc) =	sbr.rel @!p2 .LBB1_8-.Ltmp1, $4  }
0x15: {  	s15 =	smov.u32 s10;
	s14 =	smov.u32 s11;
	[sflag:s20] =	ssyncset.done @!p1 $0x0  }
0x16: {  	p0 =	por !p0, !p0;
	s17 =	simm.s32 @p3 $0x0;
	[sflag:s20] =	ssyncadd.s32 @!p1 $0xFFFFC000  }
0x17: {  	s9 =	smov.u32 s17;
	s18 =	simm.s32 @p4 $0x0;
	s12 =	smov.u32 s8  }
0x18: {  	s8 =	smov.u32 s16;
	s10 =	smov.u32 s18;
	s11 =	smov.u32 s19  }
.LBB1_1:
0x19: {  	p1 =	sgt.u32 s7, $0x3F  }
0x1a: {  	s16 =	sxor.u32 @!p1 $0xFFFFFFFF, s7  }
0x1b: {  	s17 =	sshll.u32 @!p1 s9, $0x7;
	s18 =	sand.u32 @!p1 $0x78, s8;
	s19 =	sshll.u32 @!p1 s11, $0xD  }
0x1c: {  	s20 =	sand.u32 @!p1 $0x380, s8;
	s16 =	sshll.u32 @!p1 s16, $0xE;
	s17 =	sand.u32 @!p1 $0x380, s17  }
0x1d: {  	s19 =	sadd.s32 @!p1 s2, s19;
	s17 =	sor.u32 @!p1 s18, s17;
	s18 =	sshll.u32 @!p1 s10, $0xA  }
0x1e: {  	s16 =	sand.u32 @!p1 $0x4000, s16;
	s18 =	sadd.s32 @!p1 s18, s19;
	s19 =	sand.u32 @!p1 $0x7, s8  }
0x1f: {  	s17 =	sshrl.u32 @!p1 s17, $0x3;
	s18 =	sadd.s32 @!p1 s20, s18;
	s19 =	sshll.u32 @!p1 s19, $0x12  }
0x20: {  	s17 =	sadd.s32 @!p1 s17, s18;
	s18 =	sor.u32 @!p1 $0x800, s19;
	s19 =	simm.s32 @!p1 $0x2000  }
0x21: {  	[tilespmem:s16], [sflag:$0x1] =	stream.strided.gather @!p1 [hbm4b:s17+s18], $0x4000, s19, s18, $0x38;
	[tilespmem:$0x10000] =	vst v63  }
0x22: {  	p1 =	seq.s32 s7, $0x0  }
0x23: {  	p2 =	seq.s32 @!p1 s7, $0x41  }
0x24: {  	p1 =	por p1, p2  }
.Ltmp2:
0x25: {  	_ = 	snop;
	(pc) =	sbr.rel @p1 .LBB1_7-.Ltmp2, $1  }
0x26: {  	_ =	sdelay $0x3  }
0x27: {  	s16 =	simm.s32 $0x1  }
0x28: {  	_ =	swait.ge [sflag:s4], $0x4000;
	s31 =	sshll.u32 s7, $0xE;
	p1 =	por $0x0, $0x0  }
0x29: {  	s22 =	simm.s32 $0x0;
	s23 =	simm.s32 $0x0;
	s16 =	simm.s32 @!p0 $0x0  }
0x2a: {  	[sflag:s4] =	ssyncset.done $0x0;
	s19 =	sand.u32 $0x4000, s31;
	s16 =	sshll.u32 s16, $0x10  }
0x2b: {  	[sflag:s4] =	ssyncadd.s32 $0xFFFFC000;
	s20 =	sshrl.u32 s16, $0x2;
	s16 =	sor.u32 $0x8000, s19  }
0x2c: {  	s17 =	sor.u32 $0x40, s20;
	s18 =	sor.u32 $0x8410, s20;
	s20 =	sadd.s32 $0x8400, s20  }
.LBB1_3:
0x2d: {  	v1 =	vld [tilespmem:s17+$0xFFFFFFD0]  }
0x2e: {  	v2 =	vld [tilespmem:s17+$0x430]  }
0x2f: {  	s24 =	sshll.u32 s23, $0xB;
	v4 =	vld [tilespmem:s17+$0xFFFFFFE0]  }
0x30: {  	v7 =	vld [tilespmem:s17+$0xFFFFFFF0];
	v0 =	vmov s24  }
0x31: {  	v8 =	vld [tilespmem:s17+$0x0]  }
0x32: {  	s30 =	sand.u32 $0x300, s21;
	v9 =	vld [tilespmem:s17+$0x10]  }
0x33: {  	s25 =	sand.u32 $0x80, s21;
	v10 =	vld [tilespmem:s17+$0x20];
	s24 =	sadd.s32 s30, s19  }
0x34: {  	v11 =	vld [tilespmem:s17+$0x30];
	s24 =	sadd.s32 s25, s24;
	s25 =	simm.s32 $0x1;
	[tilespmem:s18+$0x60] =	vst v2  }
0x35: {  	s31 =	sshll.u32 s22, $0x2;
	s25 =	simm.s32 @!p1 $0x0;
	[tilespmem:s18+$0xFFFFFC00] =	vst v1;
	v3 =	vld.idx.msk [tilespmem:v0+s24+$0x400 ss:$0x1], $0xffff  }
0x36: {  	v6 =	vld [tilespmem:s17+$0x3D0];
	s25 =	sshll.u32 s25, $0x9;
	[tilespmem:s18+$0xFFFFFC10] =	vst v4;
	s24 =	sand.u32 $0xFFFFFC00, s31  }
0x37: {  	v5 =	vld [tilespmem:s17+$0x3E0];
	[tilespmem:s18+$0xFFFFFC20] =	vst v7;
	s24 =	sor.u32 s25, s24  }
0x38: {  	[tilespmem:s18+$0xFFFFFC30] =	vst v8;
	v4 =	vld [tilespmem:s17+$0x400];
	s24 =	sshrl.u32 s24, $0x2  }
0x39: {  	[tilespmem:s18+$0xFFFFFC40] =	vst v9;
	v1 =	vld [tilespmem:s17+$0x410];
	s24 =	sadd.s32 s24, s20  }
0x3a: {  	[tilespmem:s24+$0x0] =	vst v3;
	v3 =	vld [tilespmem:s17+$0x3F0]  }
0x3b: {  	s28 =	simm.s32 $0x80;
	s27 =	simm.s32 $0x100;
	[tilespmem:s18+$0xFFFFFC50] =	vst v10;
	v2 =	vld [tilespmem:s17+$0x420]  }
0x3c: {  	s26 =	smov.u32 s18;
	s29 =	sand.u32 $0x300, s28;
	v7 =	vld [tilespmem:s17+$0xFFFFFFC0];
	[tilespmem:s18+$0xFFFFFC60] =	vst v11;
	s25 =	sadd.s32 $0x80, s17  }
.LBB1_4:
0x3d: {  	p2 =	sne.s32 s27, $0x380;
	v8 =	vld [tilespmem:s25+$0xFFFFFFD0];
	s28 =	sand.u32 $0x80, s28;
	s29 =	sadd.s32 s29, s19;
	[tilespmem:s26+$0x0] =	vst v6  }
0x3e: {  	s29 =	sadd.s32 s28, s29;
	v6 =	vld [tilespmem:s25+$0x430];
	[tilespmem:s26+$0x10] =	vst v5;
	s28 =	smov.u32 s27  }
0x3f: {  	v5 =	vld.idx.msk [tilespmem:v0+s29+$0x400 ss:$0x1], $0xffff;
	[tilespmem:s26+$0x20] =	vst v3  }
0x40: {  	v3 =	vld [tilespmem:s25+$0xFFFFFFE0];
	[tilespmem:s26+$0x30] =	vst v4  }
0x41: {  	v4 =	vld [tilespmem:s25+$0xFFFFFFF0];
	[tilespmem:s26+$0xFFFFFBF0] =	vst v7  }
0x42: {  	v7 =	vld [tilespmem:s25+$0x0];
	[tilespmem:s26+$0x40] =	vst v1  }
0x43: {  	v1 =	vld [tilespmem:s25+$0x10];
	[tilespmem:s26+$0x50] =	vst v2;
	s26 =	sadd.s32 $0x800, s26  }
0x44: {  	s24 =	sadd.s32 $0x800, s24;
	v2 =	vld [tilespmem:s25+$0x20];
	[tilespmem:s26+$0x60] =	vst v6  }
0x45: {  	v9 =	vld [tilespmem:s25+$0x30];
	[tilespmem:s24+$0x0] =	vst v5  }
0x46: {  	[tilespmem:s26+$0xFFFFFC00] =	vst v8;
	v6 =	vld [tilespmem:s25+$0x3D0]  }
0x47: {  	[tilespmem:s26+$0xFFFFFC10] =	vst v3;
	v5 =	vld [tilespmem:s25+$0x3E0]  }
.Ltmp3:
0x48: {  	[tilespmem:s26+$0xFFFFFC20] =	vst v4;
	v3 =	vld [tilespmem:s25+$0x3F0];
	(pc) =	sbr.rel @p2 .LBB1_4-.Ltmp3, $4  }
0x49: {  	[tilespmem:s26+$0xFFFFFC30] =	vst v7;
	v4 =	vld [tilespmem:s25+$0x400]  }
0x4a: {  	[tilespmem:s26+$0xFFFFFC40] =	vst v1;
	v1 =	vld [tilespmem:s25+$0x410]  }
0x4b: {  	[tilespmem:s26+$0xFFFFFC50] =	vst v2;
	v2 =	vld [tilespmem:s25+$0x420]  }
0x4c: {  	s27 =	sadd.s32 $0x80, s27;
	s29 =	sand.u32 $0x300, s28;
	v7 =	vld [tilespmem:s25+$0xFFFFFFC0];
	[tilespmem:s26+$0xFFFFFC60] =	vst v9;
	s25 =	sadd.s32 $0x80, s25  }
0x4d: {  	[tilespmem:s26+$0x0] =	vst v6  }
0x4e: {  	[tilespmem:s26+$0x10] =	vst v5  }
0x4f: {  	v49 =	vld [tilespmem:s25+$0x430];
	[tilespmem:s26+$0x20] =	vst v3  }
0x50: {  	v50 =	vld [tilespmem:s25+$0xFFFFFFD0];
	[tilespmem:s26+$0x30] =	vst v4  }
0x51: {  	v51 =	vld [tilespmem:s25+$0xFFFFFFE0];
	[tilespmem:s26+$0x40] =	vst v1  }
0x52: {  	v52 =	vld [tilespmem:s25+$0xFFFFFFF0];
	[tilespmem:s26+$0x50] =	vst v2  }
0x53: {  	s31 =	sadd.s32 $0x800, s26;
	v53 =	vld [tilespmem:s25+$0x0];
	[tilespmem:s26+$0xFFFFFBF0] =	vst v7  }
0x54: {  	v54 =	vld [tilespmem:s25+$0x10];
	[tilespmem:s31+$0x60] =	vst v49  }
0x55: {  	v55 =	vld [tilespmem:s25+$0x20];
	[tilespmem:s31+$0xFFFFFC00] =	vst v50  }
0x56: {  	v56 =	vld [tilespmem:s25+$0x30];
	[tilespmem:s31+$0xFFFFFC10] =	vst v51  }
0x57: {  	v57 =	vld [tilespmem:s25+$0x3D0];
	[tilespmem:s31+$0xFFFFFC20] =	vst v52  }
0x58: {  	v58 =	vld [tilespmem:s25+$0x3E0];
	[tilespmem:s31+$0xFFFFFC30] =	vst v53  }
0x59: {  	v59 =	vld [tilespmem:s25+$0x3F0];
	[tilespmem:s31+$0xFFFFFC40] =	vst v54  }
0x5a: {  	v60 =	vld [tilespmem:s25+$0x400];
	[tilespmem:s31+$0xFFFFFC50] =	vst v55  }
0x5b: {  	v61 =	vld [tilespmem:s25+$0xFFFFFFC0];
	[tilespmem:s31+$0xFFFFFC60] =	vst v56  }
0x5c: {  	s27 =	sand.u32 $0x80, s28;
	s30 =	sadd.s32 s29, s19;
	v62 =	vld [tilespmem:s25+$0x410];
	[tilespmem:s31+$0x0] =	vst v57  }
0x5d: {  	v63 =	vld [tilespmem:s25+$0x420];
	s23 =	sadd.s32 $0x1, s23;
	s27 =	sadd.s32 s27, s30;
	[tilespmem:s31+$0x10] =	vst v58  }
0x5e: {  	p2 =	sne.s32 s23, $0x8;
	v0 =	vld.idx.msk [tilespmem:v0+s27+$0x400 ss:$0x1], $0xffff;
	[tilespmem:s31+$0x20] =	vst v59  }
.Ltmp4:
0x5f: {  	[tilespmem:s31+$0x30] =	vst v60;
	(pc) =	sbr.rel @p2 .LBB1_3-.Ltmp4, $4  }
0x60: {  	[tilespmem:s31+$0xFFFFFBF0] =	vst v61  }
0x61: {  	[tilespmem:s31+$0x40] =	vst v62  }
0x62: {  	s24 =	sadd.s32 $0x800, s24;
	s17 =	sadd.s32 $0x800, s17;
	[tilespmem:s31+$0x50] =	vst v63  }
0x63: {  	s22 =	sadd.s32 $0x80, s22;
	p1 =	por !p1, !p1;
	s18 =	sadd.s32 $0x80, s18;
	[tilespmem:s24+$0x0] =	vst v0  }
0x64: {  	s15 =	sshll.u32 s15, $0x7;
	s17 =	sand.u32 $0x78, s12  }
0x65: {  	s14 =	sshll.u32 s14, $0xD;
	s13 =	sshll.u32 s13, $0xA;
	s29 =	sand.u32 $0x380, s12  }
.Ltmp5:
0x66: {  	s15 =	sand.u32 $0x380, s15;
	s14 =	sadd.s32 s3, s14;
	(pc) =	sbr.rel .LBB1_7-.Ltmp5, $4  }
0x67: {  	s30 =	sand.u32 $0x7, s12;
	s15 =	sor.u32 s15, s17;
	s13 =	sadd.s32 s13, s14  }
0x68: {  	s12 =	sshll.u32 s30, $0x12;
	s31 =	sshrl.u32 s15, $0x3;
	s13 =	sadd.s32 s29, s13  }
0x69: {  	s12 =	sor.u32 $0x800, s12;
	s13 =	sadd.s32 s31, s13  }
0x6a: {  	[hbm4b:s13+s12] =	stream.strided.scatter [tilespmem:s16], [sflag:$0x2], $0x4000, s6, s12, $0x38;
	[tilespmem:$0x10000] =	vst v63  }
.LBB1_8:
0x6b: {  	_ =	sfence.sel $0x180000  }
0x6c: {  	s2 =	simm.s32 $0x1;
	[bflag:$0x0] =	sbarrier.arrive $0xFFFF  }
0x6d: {  	s31 =	simm.s32 $0x2;
	[sflag:s2] =	ssyncpa.u1 $0x1  }
0x6e: {  	[sflag:s31] =	ssyncpa.u1 $0x1  }
0x6f: {  	p0 =	sne.s32 s1, $0x0;
	_ =	strace $0x9000004A  }
0x70: {  	s0 =	sadd.s32 @!p0 $0x100000, s0;
	[bflag:$0x2] =	sbarrier.arrive $0xFFFF  }
0x71: {  	[sflag:s0] =	ssyncadd.tile.s32 @!p0 $0x1;
	_ =	shalt  }
.Lfunc_end1:
_tile_overlayer_lowered:
.L_overlay_start_2:
0x72: {  	(tag) =	ssettag $0x2  }
0x73: {  	s0 =	rddreg [dreg:$0x0];
	s2 =	stileid.u32  }
0x74: {  	s1 =	rddreg [dreg:$0x1];
	p0 =	sne.s32 s2, $0x0  }
0x75: {  	s3 =	rddreg [dreg:$0x2];
	[bflag:$0x3] =	sbarrier.arrive $0xFFFF;
	s2 =	simm.s32 @!p0 $0x1C01  }
0x76: {  	[timem:s3], [sflag:s2] =	dma.local @!p0 [hbm:s0], s1  }
0x77: {  	s0 =	simm.s32 @!p0 $0x1  }
0x78: {  	_ =	swait.ge @!p0 [sflag:s0], s1  }
0x79: {  	s1 =	ssub.s32 @!p0 $0x0, s1;
	[sflag:s0] =	ssyncset.done @!p0 $0x0  }
0x7a: {  	[sflag:s0] =	ssyncadd.s32 @!p0 s1  }
0x7b: {  	[bflag:$0x3] =	sbarrier.arrive $0xFFFF  }
0x7c: {  	_ =	shalt  }

// kernel: sparse-core-data-format-call.3.cloned.1.call-start
scs
called_computation.3_lowered:
.L_overlay_start_0:
0x0: {  	s2 =	sld [smem:$0x3FD9]  }
0x1: {  	s3 =	sld [smem:$0x3FFE];
	_ =	sdelay $0x1  }
0x2: {  	s1 =	srdreg.scid  }
0x3: {  	s0 =	sand.u32 $0x1, s1  }
0x4: {  	s16 =	sshll.u32 s0, $0xA;
	s2 =	sadd.s32 s3, s2  }
0x5: {  	s2 =	sadd.s32 s2, s16  }
0x6: {  	[smem:$0x3FC6] =	sst s2  }
0x7: {  	_ = 	snop  }
0x8: {  	s2 =	sld [smem:$0x3FD0];
	_ =	sdelay $0x2  }
0x9: {  	s4 =	simm.s32 $0xB;
	s5 =	simm.s32 $0x10;
	s17 =	sld [smem:$0x3FC9]  }
0xa: {  	[smem:s5], [sflag:s4] =	dma.local [hbm:s2], $0x1  }
0xb: {  	_ =	swait.eq [sflag:s4], $0x1  }
0xc: {  	[sflag:s4] =	ssyncset.done $0x0  }
0xd: {  	[sflag:s4] =	ssyncadd.s32 $0xFFFFFFFF  }
0xe: {  	s18 =	sld [smem:$0x10];
	(tm) =	ssettm $0x1  }
0xf: {  	s19 =	sld [smem:$0x3FFB];
	_ =	sdelay $0x3  }
0x10: {  	_ =	strace s19  }
0x11: {  	s4 =	sld [smem:$0x3FFC];
	_ =	sdelay $0x3  }
0x12: {  	_ =	strace s4  }
0x13: {  	s4 =	sld [smem:$0x3FFD];
	_ =	sdelay $0x3  }
0x14: {  	_ =	strace s4  }
0x15: {  	_ =	strace $0x8FFFFFFF  }
0x16: {  	s20 =	sld [smem:$0x3FDB];
	_ =	sdelay $0x1  }
0x17: {  	s21 =	simm.s32 $_scs_section_size  }
0x18: {  	s6 =	simm.s32 $_size__tile_overlayer_lowered;
	s7 =	simm.s32 $_tile_overlayer_lowered  }
0x19: {  	s24 =	simm.s32 $0x1BFF;
	s23 =	sshll.u32 s7, $0x1;
	s4 =	sadd.s32 s21, s20  }
0x1a: {  	s8 =	simm.s32 $0x0;
	s22 =	sshll.u32 s6, $0x1;
	s6 =	sadd.s32 s23, s4  }
0x1b: {  	[timem:s8], [sflag:s24] =	dma.local [hbm:s6], s22  }
0x1c: {  	_ =	swait.ge [sflag:s24], s22  }
0x1d: {  	s5 =	ssub.s32 $0x0, s22;
	[sflag:s24] =	ssyncset.done $0x0  }
0x1e: {  	[sflag:s24] =	ssyncadd.s32 s5;
	_ =	sdelay $0x1  }
0x1f: {  	s25 =	simm.s32 $0x1B8B  }
0x20: {  	_ =	swait.ge [sflag:s25], $0x1  }
0x21: {  	[sflag:s25] =	ssyncset.done $0x0  }
0x22: {  	s26 =	simm.s32 $0x1B8E;
	[sflag:s25] =	ssyncadd.s32 $0xFFFFFFFF  }
0x23: {  	s27 =	simm.s32 $execute0_lowered;
	[smem:$0x3FD2] =	sst s26  }
0x24: {  	s5 =	sshll.u32 s27, $0x1;
	_ =	strace $0x80000046;
	[dreg:$0x1] =	wrdreg $0xFFFFFFFF  }
0x25: {  	s28 =	simm.s32 $_size_execute0_lowered;
	s4 =	sadd.s32 s4, s5;
	[dreg:$0x0] =	wrdreg $0x0  }
0x26: {  	s5 =	sshll.u32 s28, $0x1;
	[dreg:$0x2] =	wrdreg s4  }
0x27: {  	[dreg:$0x3] =	wrdreg s5  }
0x28: {  	[dreg:$0x4] =	wrdreg $0xC0  }
0x29: {  	_ =	task [dreg:s8], $0x5FFFF  }
0x2a: {  	[dreg:$0x1] =	wrdreg $0xFFFFFFFF  }
0x2b: {  	[dreg:$0x0] =	wrdreg $0x60  }
0x2c: {  	[dreg:$0x2] =	wrdreg s17  }
0x2d: {  	[dreg:$0x3] =	wrdreg s18  }
0x2e: {  	[dreg:$0x4] =	wrdreg $0xA  }
0x2f: {  	_ =	task.clear_ibuf [dreg:s8], $0x5FFFF;
	_ =	strace $0x90000046  }
0x30: {  	s29 =	simm.s32 $0xA;
	_ =	strace $0x80000048  }
0x31: {  	_ =	swait.ge [sflag:s29], $0x1  }
0x32: {  	[sflag:s29] =	ssyncadd.s32 $0xFFFFFFFF  }
0x33: {  	_ =	strace $0x90000048  }
0x34: {  	_ =	sfence  }
0x35: {  	s30 =	sld [smem:$0x0];
	_ =	sdelay $0x2  }
0x36: {  	s31 =	sshll.u32 s1, $0xD;
	s1 =	sshrl.u32 s1, $0x2  }
0x37: {  	s3 =	sand.u32 $0x4000, s31;
	s1 =	sadd.s32 s1, s30  }
0x38: {  	s0 =	sor.u32 s3, s0;
	s1 =	sshll.u32 s1, $0x11  }
0x39: {  	s0 =	sor.u32 s1, s0  }
0x3a: {  	s0 =	sadd.s32 $0x8F2B, s0  }
0x3b: {  	[sflag:s0] =	ssyncadd.remote.s32 $0x1  }
0x3c: {  	_ =	sfence.sel $0xFFFF  }
0x3d: {  	[dreg:$0x0] =	wrdreg $0xFFFFFFFF;
	(pc) =	sbr.abs _section_cstart, $3  }
0x3e: {  	[dreg:$0x1] =	wrdreg $0xFFFFFFFF  }
0x3f: {  	_ =	task.clear_ibuf [dreg:s8], $0x2FFFF;
	_ =	strace $0x9FFFFFFF  }
0x40: {  	(tm) =	ssettm $0x7FFFFFFF  }
0x41: {  	_ =	shalt  }
tec
execute0_lowered:
.L_overlay_start_1:
0x0: {  	(tag) =	ssettag $0x1  }
0x1: {  	s2 =	rddreg [dreg:$0x0]  }
0x2: {  	s3 =	rddreg [dreg:$0x1]  }
0x3: {  	s0 =	rddreg [dreg:$0x2];
	_ =	strace $0x80000047;
	s4 =	srdreg.scid  }
0x4: {  	s1 =	stileid.u32;
	s6 =	simm.s32 $0x2;
	s12 =	simm.s32 $0x0  }
0x5: {  	p0 =	por $0x0, $0x0;
	s13 =	simm.s32 $0x0;
	s15 =	simm.s32 $0x0  }
.Ltmp0:
0x6: {  	s14 =	simm.s32 $0x0;
	s8 =	simm.s32 $0x0;
	(pc) =	sbr.rel .LBB1_1-.Ltmp0, $4  }
0x7: {  	s9 =	simm.s32 $0x0;
	s10 =	simm.s32 $0x0;
	s5 =	sshll.u32 s4, $0x4  }
0x8: {  	s7 =	simm.s32 $0x0;
	s4 =	simm.s32 $0x1;
	s5 =	sand.u32 $0x10, s5  }
0x9: {  	s21 =	simm.s32 $0x0;
	[sflag:s4] =	ssyncpa.u1 $0x0;
	s5 =	sor.u32 s1, s5  }
0xa: {  	[sflag:s6] =	ssyncpa.u1 $0x0;
	s6 =	simm.s32 $0x2000;
	s11 =	smov.u32 s5  }
.LBB1_7:
0xb: {  	s16 =	sadd.s32 $0x100, s8  }
0xc: {  	s12 =	sadd.s32 $0x8, s9;
	s17 =	smov.u32 s9;
	p2 =	sgt.s32 s16, $0x3FF  }
0xd: {  	s17 =	smov.u32 @p2 s12  }
0xe: {  	s18 =	smov.u32 s10;
	s12 =	sadd.s32 $0x8, s10;
	p3 =	sgt.s32 s17, $0x7  }
0xf: {  	s18 =	smov.u32 @p3 s12  }
0x10: {  	s19 =	smov.u32 s11;
	s12 =	sadd.s32 $0x20, s11;
	p4 =	sgt.s32 s18, $0x7  }
0x11: {  	p1 =	slt.u32 s7, $0x2;
	s19 =	smov.u32 @p4 s12  }
0x12: {  	s7 =	sadd.s32 $0x1, s7;
	s16 =	simm.s32 @p2 $0x0;
	p2 =	sgt.s32 s19, $0x1FF  }
0x13: {  	s20 =	simm.s32 @!p1 $0x2;
	s19 =	smov.u32 @p2 s5;
	p2 =	sne.s32 s7, $0x42  }
.Ltmp1:
0x14: {  	s13 =	smov.u32 s9;
	_ =	swait.ge @!p1 [sflag:s20], $0x4000;
	(pc) =	sbr.rel @!p2 .LBB1_8-.Ltmp1, $4  }
0x15: {  	s15 =	smov.u32 s10;
	s14 =	smov.u32 s11;
	[sflag:s20] =	ssyncset.done @!p1 $0x0  }
0x16: {  	p0 =	por !p0, !p0;
	s17 =	simm.s32 @p3 $0x0;
	[sflag:s20] =	ssyncadd.s32 @!p1 $0xFFFFC000  }
0x17: {  	s9 =	smov.u32 s17;
	s18 =	simm.s32 @p4 $0x0;
	s12 =	smov.u32 s8  }
0x18: {  	s8 =	smov.u32 s16;
	s10 =	smov.u32 s18;
	s11 =	smov.u32 s19  }
.LBB1_1:
0x19: {  	p1 =	sgt.u32 s7, $0x3F  }
0x1a: {  	s16 =	sxor.u32 @!p1 $0xFFFFFFFF, s7  }
0x1b: {  	s17 =	sshll.u32 @!p1 s9, $0x7;
	s18 =	sand.u32 @!p1 $0x78, s8;
	s19 =	sshll.u32 @!p1 s11, $0xD  }
0x1c: {  	s20 =	sand.u32 @!p1 $0x380, s8;
	s16 =	sshll.u32 @!p1 s16, $0xE;
	s17 =	sand.u32 @!p1 $0x380, s17  }
0x1d: {  	s19 =	sadd.s32 @!p1 s2, s19;
	s17 =	sor.u32 @!p1 s18, s17;
	s18 =	sshll.u32 @!p1 s10, $0xA  }
0x1e: {  	s16 =	sand.u32 @!p1 $0x4000, s16;
	s18 =	sadd.s32 @!p1 s18, s19;
	s19 =	sand.u32 @!p1 $0x7, s8  }
0x1f: {  	s17 =	sshrl.u32 @!p1 s17, $0x3;
	s18 =	sadd.s32 @!p1 s20, s18;
	s19 =	sshll.u32 @!p1 s19, $0x12  }
0x20: {  	s17 =	sadd.s32 @!p1 s17, s18;
	s18 =	sor.u32 @!p1 $0x800, s19;
	s19 =	simm.s32 @!p1 $0x2000  }
0x21: {  	[tilespmem:s16], [sflag:$0x1] =	stream.strided.gather @!p1 [hbm4b:s17+s18], $0x4000, s19, s18, $0x38;
	[tilespmem:$0x10000] =	vst v63  }
0x22: {  	p1 =	seq.s32 s7, $0x0  }
0x23: {  	p2 =	seq.s32 @!p1 s7, $0x41  }
0x24: {  	p1 =	por p1, p2  }
.Ltmp2:
0x25: {  	_ = 	snop;
	(pc) =	sbr.rel @p1 .LBB1_7-.Ltmp2, $1  }
0x26: {  	_ =	sdelay $0x3  }
0x27: {  	s16 =	simm.s32 $0x1  }
0x28: {  	_ =	swait.ge [sflag:s4], $0x4000;
	s31 =	sshll.u32 s7, $0xE;
	p1 =	por $0x0, $0x0  }
0x29: {  	s22 =	simm.s32 $0x0;
	s23 =	simm.s32 $0x0;
	s16 =	simm.s32 @!p0 $0x0  }
0x2a: {  	[sflag:s4] =	ssyncset.done $0x0;
	s19 =	sand.u32 $0x4000, s31;
	s16 =	sshll.u32 s16, $0x10  }
0x2b: {  	[sflag:s4] =	ssyncadd.s32 $0xFFFFC000;
	s20 =	sshrl.u32 s16, $0x2;
	s16 =	sor.u32 $0x8000, s19  }
0x2c: {  	s17 =	sor.u32 $0x40, s20;
	s18 =	sor.u32 $0x8410, s20;
	s20 =	sadd.s32 $0x8400, s20  }
.LBB1_3:
0x2d: {  	v1 =	vld [tilespmem:s17+$0xFFFFFFD0]  }
0x2e: {  	v2 =	vld [tilespmem:s17+$0x430]  }
0x2f: {  	s24 =	sshll.u32 s23, $0xB;
	v4 =	vld [tilespmem:s17+$0xFFFFFFE0]  }
0x30: {  	v7 =	vld [tilespmem:s17+$0xFFFFFFF0];
	v0 =	vmov s24  }
0x31: {  	v8 =	vld [tilespmem:s17+$0x0]  }
0x32: {  	s30 =	sand.u32 $0x300, s21;
	v9 =	vld [tilespmem:s17+$0x10]  }
0x33: {  	s25 =	sand.u32 $0x80, s21;
	v10 =	vld [tilespmem:s17+$0x20];
	s24 =	sadd.s32 s30, s19  }
0x34: {  	v11 =	vld [tilespmem:s17+$0x30];
	s24 =	sadd.s32 s25, s24;
	s25 =	simm.s32 $0x1;
	[tilespmem:s18+$0x60] =	vst v2  }
0x35: {  	s31 =	sshll.u32 s22, $0x2;
	s25 =	simm.s32 @!p1 $0x0;
	[tilespmem:s18+$0xFFFFFC00] =	vst v1;
	v3 =	vld.idx.msk [tilespmem:v0+s24+$0x400 ss:$0x1], $0xffff  }
0x36: {  	v6 =	vld [tilespmem:s17+$0x3D0];
	s25 =	sshll.u32 s25, $0x9;
	[tilespmem:s18+$0xFFFFFC10] =	vst v4;
	s24 =	sand.u32 $0xFFFFFC00, s31  }
0x37: {  	v5 =	vld [tilespmem:s17+$0x3E0];
	[tilespmem:s18+$0xFFFFFC20] =	vst v7;
	s24 =	sor.u32 s25, s24  }
0x38: {  	[tilespmem:s18+$0xFFFFFC30] =	vst v8;
	v4 =	vld [tilespmem:s17+$0x400];
	s24 =	sshrl.u32 s24, $0x2  }
0x39: {  	[tilespmem:s18+$0xFFFFFC40] =	vst v9;
	v1 =	vld [tilespmem:s17+$0x410];
	s24 =	sadd.s32 s24, s20  }
0x3a: {  	[tilespmem:s24+$0x0] =	vst v3;
	v3 =	vld [tilespmem:s17+$0x3F0]  }
0x3b: {  	s28 =	simm.s32 $0x80;
	s27 =	simm.s32 $0x100;
	[tilespmem:s18+$0xFFFFFC50] =	vst v10;
	v2 =	vld [tilespmem:s17+$0x420]  }
0x3c: {  	s26 =	smov.u32 s18;
	s29 =	sand.u32 $0x300, s28;
	v7 =	vld [tilespmem:s17+$0xFFFFFFC0];
	[tilespmem:s18+$0xFFFFFC60] =	vst v11;
	s25 =	sadd.s32 $0x80, s17  }
.LBB1_4:
0x3d: {  	p2 =	sne.s32 s27, $0x380;
	v8 =	vld [tilespmem:s25+$0xFFFFFFD0];
	s28 =	sand.u32 $0x80, s28;
	s29 =	sadd.s32 s29, s19;
	[tilespmem:s26+$0x0] =	vst v6  }
0x3e: {  	s29 =	sadd.s32 s28, s29;
	v6 =	vld [tilespmem:s25+$0x430];
	[tilespmem:s26+$0x10] =	vst v5;
	s28 =	smov.u32 s27  }
0x3f: {  	v5 =	vld.idx.msk [tilespmem:v0+s29+$0x400 ss:$0x1], $0xffff;
	[tilespmem:s26+$0x20] =	vst v3  }
0x40: {  	v3 =	vld [tilespmem:s25+$0xFFFFFFE0];
	[tilespmem:s26+$0x30] =	vst v4  }
0x41: {  	v4 =	vld [tilespmem:s25+$0xFFFFFFF0];
	[tilespmem:s26+$0xFFFFFBF0] =	vst v7  }
0x42: {  	v7 =	vld [tilespmem:s25+$0x0];
	[tilespmem:s26+$0x40] =	vst v1  }
0x43: {  	v1 =	vld [tilespmem:s25+$0x10];
	[tilespmem:s26+$0x50] =	vst v2;
	s26 =	sadd.s32 $0x800, s26  }
0x44: {  	s24 =	sadd.s32 $0x800, s24;
	v2 =	vld [tilespmem:s25+$0x20];
	[tilespmem:s26+$0x60] =	vst v6  }
0x45: {  	v9 =	vld [tilespmem:s25+$0x30];
	[tilespmem:s24+$0x0] =	vst v5  }
0x46: {  	[tilespmem:s26+$0xFFFFFC00] =	vst v8;
	v6 =	vld [tilespmem:s25+$0x3D0]  }
0x47: {  	[tilespmem:s26+$0xFFFFFC10] =	vst v3;
	v5 =	vld [tilespmem:s25+$0x3E0]  }
.Ltmp3:
0x48: {  	[tilespmem:s26+$0xFFFFFC20] =	vst v4;
	v3 =	vld [tilespmem:s25+$0x3F0];
	(pc) =	sbr.rel @p2 .LBB1_4-.Ltmp3, $4  }
0x49: {  	[tilespmem:s26+$0xFFFFFC30] =	vst v7;
	v4 =	vld [tilespmem:s25+$0x400]  }
0x4a: {  	[tilespmem:s26+$0xFFFFFC40] =	vst v1;
	v1 =	vld [tilespmem:s25+$0x410]  }
0x4b: {  	[tilespmem:s26+$0xFFFFFC50] =	vst v2;
	v2 =	vld [tilespmem:s25+$0x420]  }
0x4c: {  	s27 =	sadd.s32 $0x80, s27;
	s29 =	sand.u32 $0x300, s28;
	v7 =	vld [tilespmem:s25+$0xFFFFFFC0];
	[tilespmem:s26+$0xFFFFFC60] =	vst v9;
	s25 =	sadd.s32 $0x80, s25  }
0x4d: {  	[tilespmem:s26+$0x0] =	vst v6  }
0x4e: {  	[tilespmem:s26+$0x10] =	vst v5  }
0x4f: {  	v49 =	vld [tilespmem:s25+$0x430];
	[tilespmem:s26+$0x20] =	vst v3  }
0x50: {  	v50 =	vld [tilespmem:s25+$0xFFFFFFD0];
	[tilespmem:s26+$0x30] =	vst v4  }
0x51: {  	v51 =	vld [tilespmem:s25+$0xFFFFFFE0];
	[tilespmem:s26+$0x40] =	vst v1  }
0x52: {  	v52 =	vld [tilespmem:s25+$0xFFFFFFF0];
	[tilespmem:s26+$0x50] =	vst v2  }
0x53: {  	s31 =	sadd.s32 $0x800, s26;
	v53 =	vld [tilespmem:s25+$0x0];
	[tilespmem:s26+$0xFFFFFBF0] =	vst v7  }
0x54: {  	v54 =	vld [tilespmem:s25+$0x10];
	[tilespmem:s31+$0x60] =	vst v49  }
0x55: {  	v55 =	vld [tilespmem:s25+$0x20];
	[tilespmem:s31+$0xFFFFFC00] =	vst v50  }
0x56: {  	v56 =	vld [tilespmem:s25+$0x30];
	[tilespmem:s31+$0xFFFFFC10] =	vst v51  }
0x57: {  	v57 =	vld [tilespmem:s25+$0x3D0];
	[tilespmem:s31+$0xFFFFFC20] =	vst v52  }
0x58: {  	v58 =	vld [tilespmem:s25+$0x3E0];
	[tilespmem:s31+$0xFFFFFC30] =	vst v53  }
0x59: {  	v59 =	vld [tilespmem:s25+$0x3F0];
	[tilespmem:s31+$0xFFFFFC40] =	vst v54  }
0x5a: {  	v60 =	vld [tilespmem:s25+$0x400];
	[tilespmem:s31+$0xFFFFFC50] =	vst v55  }
0x5b: {  	v61 =	vld [tilespmem:s25+$0xFFFFFFC0];
	[tilespmem:s31+$0xFFFFFC60] =	vst v56  }
0x5c: {  	s27 =	sand.u32 $0x80, s28;
	s30 =	sadd.s32 s29, s19;
	v62 =	vld [tilespmem:s25+$0x410];
	[tilespmem:s31+$0x0] =	vst v57  }
0x5d: {  	v63 =	vld [tilespmem:s25+$0x420];
	s23 =	sadd.s32 $0x1, s23;
	s27 =	sadd.s32 s27, s30;
	[tilespmem:s31+$0x10] =	vst v58  }
0x5e: {  	p2 =	sne.s32 s23, $0x8;
	v0 =	vld.idx.msk [tilespmem:v0+s27+$0x400 ss:$0x1], $0xffff;
	[tilespmem:s31+$0x20] =	vst v59  }
.Ltmp4:
0x5f: {  	[tilespmem:s31+$0x30] =	vst v60;
	(pc) =	sbr.rel @p2 .LBB1_3-.Ltmp4, $4  }
0x60: {  	[tilespmem:s31+$0xFFFFFBF0] =	vst v61  }
0x61: {  	[tilespmem:s31+$0x40] =	vst v62  }
0x62: {  	s24 =	sadd.s32 $0x800, s24;
	s17 =	sadd.s32 $0x800, s17;
	[tilespmem:s31+$0x50] =	vst v63  }
0x63: {  	s22 =	sadd.s32 $0x80, s22;
	p1 =	por !p1, !p1;
	s18 =	sadd.s32 $0x80, s18;
	[tilespmem:s24+$0x0] =	vst v0  }
0x64: {  	s15 =	sshll.u32 s15, $0x7;
	s17 =	sand.u32 $0x78, s12  }
0x65: {  	s14 =	sshll.u32 s14, $0xD;
	s13 =	sshll.u32 s13, $0xA;
	s29 =	sand.u32 $0x380, s12  }
.Ltmp5:
0x66: {  	s15 =	sand.u32 $0x380, s15;
	s14 =	sadd.s32 s3, s14;
	(pc) =	sbr.rel .LBB1_7-.Ltmp5, $4  }
0x67: {  	s30 =	sand.u32 $0x7, s12;
	s15 =	sor.u32 s15, s17;
	s13 =	sadd.s32 s13, s14  }
0x68: {  	s12 =	sshll.u32 s30, $0x12;
	s31 =	sshrl.u32 s15, $0x3;
	s13 =	sadd.s32 s29, s13  }
0x69: {  	s12 =	sor.u32 $0x800, s12;
	s13 =	sadd.s32 s31, s13  }
0x6a: {  	[hbm4b:s13+s12] =	stream.strided.scatter [tilespmem:s16], [sflag:$0x2], $0x4000, s6, s12, $0x38;
	[tilespmem:$0x10000] =	vst v63  }
.LBB1_8:
0x6b: {  	_ =	sfence.sel $0x180000  }
0x6c: {  	s2 =	simm.s32 $0x1;
	[bflag:$0x0] =	sbarrier.arrive $0xFFFF  }
0x6d: {  	s31 =	simm.s32 $0x2;
	[sflag:s2] =	ssyncpa.u1 $0x1  }
0x6e: {  	[sflag:s31] =	ssyncpa.u1 $0x1  }
0x6f: {  	p0 =	sne.s32 s1, $0x0;
	_ =	strace $0x90000047  }
0x70: {  	s0 =	sadd.s32 @!p0 $0x100000, s0;
	[bflag:$0x2] =	sbarrier.arrive $0xFFFF  }
0x71: {  	[sflag:s0] =	ssyncadd.tile.s32 @!p0 $0x1;
	_ =	shalt  }
.Lfunc_end1:
_tile_overlayer_lowered:
.L_overlay_start_2:
0x72: {  	(tag) =	ssettag $0x2  }
0x73: {  	s0 =	rddreg [dreg:$0x0];
	s2 =	stileid.u32  }
0x74: {  	s1 =	rddreg [dreg:$0x1];
	p0 =	sne.s32 s2, $0x0  }
0x75: {  	s3 =	rddreg [dreg:$0x2];
	[bflag:$0x3] =	sbarrier.arrive $0xFFFF;
	s2 =	simm.s32 @!p0 $0x1C01  }
0x76: {  	[timem:s3], [sflag:s2] =	dma.local @!p0 [hbm:s0], s1  }
0x77: {  	s0 =	simm.s32 @!p0 $0x1  }
0x78: {  	_ =	swait.ge @!p0 [sflag:s0], s1  }
0x79: {  	s1 =	ssub.s32 @!p0 $0x0, s1;
	[sflag:s0] =	ssyncset.done @!p0 $0x0  }
0x7a: {  	[sflag:s0] =	ssyncadd.s32 @!p0 s1  }
0x7b: {  	[bflag:$0x3] =	sbarrier.arrive $0xFFFF  }
0x7c: {  	_ =	shalt  }

// kernel: sparse-core-data-format-call.cloned.1.call-start
scs
called_computation_lowered:
.L_overlay_start_0:
0x0: {  	s2 =	sld [smem:$0x3FD9]  }
0x1: {  	s3 =	sld [smem:$0x3FFE];
	_ =	sdelay $0x1  }
0x2: {  	s1 =	srdreg.scid  }
0x3: {  	s0 =	sand.u32 $0x1, s1  }
0x4: {  	s15 =	sshll.u32 s0, $0xA;
	s2 =	sadd.s32 s3, s2  }
0x5: {  	s2 =	sadd.s32 s2, s15  }
0x6: {  	[smem:$0x3FC6] =	sst s2  }
0x7: {  	_ = 	snop  }
0x8: {  	s2 =	sld [smem:$0x3FD0];
	_ =	sdelay $0x2  }
0x9: {  	s16 =	simm.s32 $0xB;
	s4 =	simm.s32 $0x10  }
0xa: {  	[smem:s4], [sflag:s16] =	dma.local [hbm:s2], $0x1  }
0xb: {  	_ =	swait.eq [sflag:s16], $0x1  }
0xc: {  	[sflag:s16] =	ssyncset.done $0x0  }
0xd: {  	[sflag:s16] =	ssyncadd.s32 $0xFFFFFFFF  }
0xe: {  	s17 =	sld [smem:$0x11];
	(tm) =	ssettm $0x1  }
0xf: {  	s18 =	sld [smem:$0x3FFB];
	_ =	sdelay $0x3  }
0x10: {  	_ =	strace s18  }
0x11: {  	s3 =	sld [smem:$0x3FFC];
	_ =	sdelay $0x3  }
0x12: {  	_ =	strace s3  }
0x13: {  	s3 =	sld [smem:$0x3FFD];
	_ =	sdelay $0x3  }
0x14: {  	_ =	strace s3  }
0x15: {  	_ =	strace $0x8FFFFFFF  }
0x16: {  	s19 =	sld [smem:$0x3FDB];
	_ =	sdelay $0x1  }
0x17: {  	s20 =	simm.s32 $_scs_section_size  }
0x18: {  	s5 =	simm.s32 $_size__tile_overlayer_lowered;
	s6 =	simm.s32 $_tile_overlayer_lowered  }
0x19: {  	s23 =	simm.s32 $0x1BFF;
	s22 =	sshll.u32 s6, $0x1;
	s3 =	sadd.s32 s20, s19  }
0x1a: {  	s7 =	simm.s32 $0x0;
	s21 =	sshll.u32 s5, $0x1;
	s5 =	sadd.s32 s22, s3  }
0x1b: {  	[timem:s7], [sflag:s23] =	dma.local [hbm:s5], s21  }
0x1c: {  	_ =	swait.ge [sflag:s23], s21  }
0x1d: {  	s4 =	ssub.s32 $0x0, s21;
	[sflag:s23] =	ssyncset.done $0x0  }
0x1e: {  	[sflag:s23] =	ssyncadd.s32 s4;
	_ =	sdelay $0x1  }
0x1f: {  	s24 =	simm.s32 $0x1B8B  }
0x20: {  	_ =	swait.ge [sflag:s24], $0x1  }
0x21: {  	[sflag:s24] =	ssyncset.done $0x0  }
0x22: {  	s26 =	simm.s32 $0x1B8E;
	s25 =	sld [smem:$0x3FFE];
	[sflag:s24] =	ssyncadd.s32 $0xFFFFFFFF  }
0x23: {  	s27 =	simm.s32 $execute0_lowered;
	[smem:$0x3FD2] =	sst s26  }
0x24: {  	s5 =	sshll.u32 s27, $0x1;
	_ =	strace $0x8000004C;
	[dreg:$0x1] =	wrdreg $0xFFFFFFFF  }
0x25: {  	s28 =	simm.s32 $_size_execute0_lowered;
	s3 =	sadd.s32 s3, s5;
	[dreg:$0x0] =	wrdreg $0x0  }
0x26: {  	s5 =	sshll.u32 s28, $0x1;
	[dreg:$0x2] =	wrdreg s3  }
0x27: {  	[dreg:$0x3] =	wrdreg s5  }
0x28: {  	[dreg:$0x4] =	wrdreg $0xC0  }
0x29: {  	_ =	task [dreg:s7], $0x5FFFF  }
0x2a: {  	[dreg:$0x1] =	wrdreg $0xFFFFFFFF  }
0x2b: {  	[dreg:$0x0] =	wrdreg $0x60  }
0x2c: {  	[dreg:$0x2] =	wrdreg s25  }
0x2d: {  	[dreg:$0x3] =	wrdreg s17  }
0x2e: {  	[dreg:$0x4] =	wrdreg $0x9  }
0x2f: {  	_ =	task.clear_ibuf [dreg:s7], $0x5FFFF;
	_ =	strace $0x9000004C  }
0x30: {  	s29 =	simm.s32 $0x9;
	_ =	strace $0x8000004E  }
0x31: {  	_ =	swait.ge [sflag:s29], $0x1  }
0x32: {  	[sflag:s29] =	ssyncadd.s32 $0xFFFFFFFF  }
0x33: {  	_ =	strace $0x9000004E  }
0x34: {  	_ =	sfence  }
0x35: {  	s30 =	sld [smem:$0x0];
	_ =	sdelay $0x2  }
0x36: {  	s31 =	sshll.u32 s1, $0xD;
	s1 =	sshrl.u32 s1, $0x2  }
0x37: {  	s3 =	sand.u32 $0x4000, s31;
	s1 =	sadd.s32 s1, s30  }
0x38: {  	s0 =	sor.u32 s3, s0;
	s1 =	sshll.u32 s1, $0x11  }
0x39: {  	s0 =	sor.u32 s1, s0  }
0x3a: {  	s0 =	sadd.s32 $0x8F2B, s0  }
0x3b: {  	[sflag:s0] =	ssyncadd.remote.s32 $0x1  }
0x3c: {  	_ =	sfence.sel $0xFFFF  }
0x3d: {  	[dreg:$0x0] =	wrdreg $0xFFFFFFFF;
	(pc) =	sbr.abs _section_cstart, $3  }
0x3e: {  	[dreg:$0x1] =	wrdreg $0xFFFFFFFF  }
0x3f: {  	_ =	task.clear_ibuf [dreg:s7], $0x2FFFF;
	_ =	strace $0x9FFFFFFF  }
0x40: {  	(tm) =	ssettm $0x7FFFFFFF  }
0x41: {  	_ =	shalt  }
tec
execute0_lowered:
.L_overlay_start_1:
0x0: {  	(tag) =	ssettag $0x1  }
0x1: {  	s1 =	rddreg [dreg:$0x0]  }
0x2: {  	s2 =	rddreg [dreg:$0x1]  }
0x3: {  	s0 =	rddreg [dreg:$0x2]  }
0x4: {  	_ =	strace $0x8000004D;
	s4 =	srdreg.scid;
	s6 =	simm.s32 $0x2  }
0x5: {  	s12 =	simm.s32 $0x0;
	p0 =	por $0x0, $0x0;
	s13 =	simm.s32 $0x0  }
0x6: {  	s15 =	simm.s32 $0x0;
	s14 =	simm.s32 $0x0;
	s8 =	simm.s32 $0x0  }
.Ltmp0:
0x7: {  	s9 =	simm.s32 $0x0;
	s10 =	simm.s32 $0x0;
	(pc) =	sbr.rel .LBB1_1-.Ltmp0, $4  }
0x8: {  	s7 =	simm.s32 $0x0;
	s3 =	sadd.s32 $0x3200, s1;
	s5 =	sshll.u32 s4, $0x4  }
0x9: {  	s1 =	stileid.u32;
	s4 =	simm.s32 $0x1;
	s5 =	sand.u32 $0x10, s5  }
0xa: {  	s21 =	simm.s32 $0x0;
	[sflag:s4] =	ssyncpa.u1 $0x0;
	s5 =	sor.u32 s1, s5  }
0xb: {  	[sflag:s6] =	ssyncpa.u1 $0x0;
	s6 =	simm.s32 $0x2000;
	s11 =	smov.u32 s5  }
.LBB1_7:
0xc: {  	s16 =	sadd.s32 $0x100, s8  }
0xd: {  	s12 =	sadd.s32 $0x8, s9;
	s17 =	smov.u32 s9;
	p2 =	sgt.s32 s16, $0x3FF  }
0xe: {  	s17 =	smov.u32 @p2 s12  }
0xf: {  	s18 =	smov.u32 s10;
	s12 =	sadd.s32 $0x8, s10;
	p3 =	sgt.s32 s17, $0x7  }
0x10: {  	s18 =	smov.u32 @p3 s12  }
0x11: {  	s19 =	smov.u32 s11;
	s12 =	sadd.s32 $0x20, s11;
	p4 =	sgt.s32 s18, $0x7  }
0x12: {  	p1 =	slt.u32 s7, $0x2;
	s19 =	smov.u32 @p4 s12  }
0x13: {  	s7 =	sadd.s32 $0x1, s7;
	s16 =	simm.s32 @p2 $0x0;
	p2 =	sgt.s32 s19, $0x1FF  }
0x14: {  	s20 =	simm.s32 @!p1 $0x2;
	s19 =	smov.u32 @p2 s5;
	p2 =	sne.s32 s7, $0x42  }
.Ltmp1:
0x15: {  	s13 =	smov.u32 s9;
	_ =	swait.ge @!p1 [sflag:s20], $0x4000;
	(pc) =	sbr.rel @!p2 .LBB1_8-.Ltmp1, $4  }
0x16: {  	s15 =	smov.u32 s10;
	s14 =	smov.u32 s11;
	[sflag:s20] =	ssyncset.done @!p1 $0x0  }
0x17: {  	p0 =	por !p0, !p0;
	s17 =	simm.s32 @p3 $0x0;
	[sflag:s20] =	ssyncadd.s32 @!p1 $0xFFFFC000  }
0x18: {  	s9 =	smov.u32 s17;
	s18 =	simm.s32 @p4 $0x0;
	s12 =	smov.u32 s8  }
0x19: {  	s8 =	smov.u32 s16;
	s10 =	smov.u32 s18;
	s11 =	smov.u32 s19  }
.LBB1_1:
0x1a: {  	p1 =	sgt.u32 s7, $0x3F  }
0x1b: {  	s16 =	sxor.u32 @!p1 $0xFFFFFFFF, s7  }
0x1c: {  	s17 =	sshll.u32 @!p1 s9, $0x7;
	s18 =	sand.u32 @!p1 $0x78, s8;
	s19 =	sshll.u32 @!p1 s11, $0xD  }
0x1d: {  	s20 =	sand.u32 @!p1 $0x380, s8;
	s16 =	sshll.u32 @!p1 s16, $0xE;
	s17 =	sand.u32 @!p1 $0x380, s17  }
0x1e: {  	s19 =	sadd.s32 @!p1 s3, s19;
	s17 =	sor.u32 @!p1 s18, s17;
	s18 =	sshll.u32 @!p1 s10, $0xA  }
0x1f: {  	s16 =	sand.u32 @!p1 $0x4000, s16;
	s18 =	sadd.s32 @!p1 s18, s19;
	s19 =	sand.u32 @!p1 $0x7, s8  }
0x20: {  	s17 =	sshrl.u32 @!p1 s17, $0x3;
	s18 =	sadd.s32 @!p1 s20, s18;
	s19 =	sshll.u32 @!p1 s19, $0x12  }
0x21: {  	s17 =	sadd.s32 @!p1 s17, s18;
	s18 =	sor.u32 @!p1 $0x800, s19;
	s19 =	simm.s32 @!p1 $0x2000  }
0x22: {  	[tilespmem:s16], [sflag:$0x1] =	stream.strided.gather @!p1 [hbm4b:s17+s18], $0x4000, s19, s18, $0x38;
	[tilespmem:$0x10000] =	vst v63  }
0x23: {  	p1 =	seq.s32 s7, $0x0  }
0x24: {  	p2 =	seq.s32 @!p1 s7, $0x41  }
0x25: {  	p1 =	por p1, p2  }
.Ltmp2:
0x26: {  	_ = 	snop;
	(pc) =	sbr.rel @p1 .LBB1_7-.Ltmp2, $1  }
0x27: {  	_ =	sdelay $0x3  }
0x28: {  	s16 =	simm.s32 $0x1  }
0x29: {  	_ =	swait.ge [sflag:s4], $0x4000;
	s31 =	sshll.u32 s7, $0xE;
	p1 =	por $0x0, $0x0  }
0x2a: {  	s22 =	simm.s32 $0x0;
	s23 =	simm.s32 $0x0;
	s16 =	simm.s32 @!p0 $0x0  }
0x2b: {  	[sflag:s4] =	ssyncset.done $0x0;
	s19 =	sand.u32 $0x4000, s31;
	s16 =	sshll.u32 s16, $0x10  }
0x2c: {  	[sflag:s4] =	ssyncadd.s32 $0xFFFFC000;
	s20 =	sshrl.u32 s16, $0x2;
	s16 =	sor.u32 $0x8000, s19  }
0x2d: {  	s17 =	sor.u32 $0x40, s20;
	s18 =	sor.u32 $0x8410, s20;
	s20 =	sadd.s32 $0x8400, s20  }
.LBB1_3:
0x2e: {  	v1 =	vld [tilespmem:s17+$0xFFFFFFD0]  }
0x2f: {  	v2 =	vld [tilespmem:s17+$0x430]  }
0x30: {  	s24 =	sshll.u32 s23, $0xB;
	v4 =	vld [tilespmem:s17+$0xFFFFFFE0]  }
0x31: {  	v7 =	vld [tilespmem:s17+$0xFFFFFFF0];
	v0 =	vmov s24  }
0x32: {  	v8 =	vld [tilespmem:s17+$0x0]  }
0x33: {  	s30 =	sand.u32 $0x300, s21;
	v9 =	vld [tilespmem:s17+$0x10]  }
0x34: {  	s25 =	sand.u32 $0x80, s21;
	v10 =	vld [tilespmem:s17+$0x20];
	s24 =	sadd.s32 s30, s19  }
0x35: {  	v11 =	vld [tilespmem:s17+$0x30];
	s24 =	sadd.s32 s25, s24;
	s25 =	simm.s32 $0x1;
	[tilespmem:s18+$0x60] =	vst v2  }
0x36: {  	s31 =	sshll.u32 s22, $0x2;
	s25 =	simm.s32 @!p1 $0x0;
	[tilespmem:s18+$0xFFFFFC00] =	vst v1;
	v3 =	vld.idx.msk [tilespmem:v0+s24+$0x400 ss:$0x1], $0xffff  }
0x37: {  	v6 =	vld [tilespmem:s17+$0x3D0];
	s25 =	sshll.u32 s25, $0x9;
	[tilespmem:s18+$0xFFFFFC10] =	vst v4;
	s24 =	sand.u32 $0xFFFFFC00, s31  }
0x38: {  	v5 =	vld [tilespmem:s17+$0x3E0];
	[tilespmem:s18+$0xFFFFFC20] =	vst v7;
	s24 =	sor.u32 s25, s24  }
0x39: {  	[tilespmem:s18+$0xFFFFFC30] =	vst v8;
	v4 =	vld [tilespmem:s17+$0x400];
	s24 =	sshrl.u32 s24, $0x2  }
0x3a: {  	[tilespmem:s18+$0xFFFFFC40] =	vst v9;
	v1 =	vld [tilespmem:s17+$0x410];
	s24 =	sadd.s32 s24, s20  }
0x3b: {  	[tilespmem:s24+$0x0] =	vst v3;
	v3 =	vld [tilespmem:s17+$0x3F0]  }
0x3c: {  	s28 =	simm.s32 $0x80;
	s27 =	simm.s32 $0x100;
	[tilespmem:s18+$0xFFFFFC50] =	vst v10;
	v2 =	vld [tilespmem:s17+$0x420]  }
0x3d: {  	s26 =	smov.u32 s18;
	s29 =	sand.u32 $0x300, s28;
	v7 =	vld [tilespmem:s17+$0xFFFFFFC0];
	[tilespmem:s18+$0xFFFFFC60] =	vst v11;
	s25 =	sadd.s32 $0x80, s17  }
.LBB1_4:
0x3e: {  	p2 =	sne.s32 s27, $0x380;
	v8 =	vld [tilespmem:s25+$0xFFFFFFD0];
	s28 =	sand.u32 $0x80, s28;
	s29 =	sadd.s32 s29, s19;
	[tilespmem:s26+$0x0] =	vst v6  }
0x3f: {  	s29 =	sadd.s32 s28, s29;
	v6 =	vld [tilespmem:s25+$0x430];
	[tilespmem:s26+$0x10] =	vst v5;
	s28 =	smov.u32 s27  }
0x40: {  	v5 =	vld.idx.msk [tilespmem:v0+s29+$0x400 ss:$0x1], $0xffff;
	[tilespmem:s26+$0x20] =	vst v3  }
0x41: {  	v3 =	vld [tilespmem:s25+$0xFFFFFFE0];
	[tilespmem:s26+$0x30] =	vst v4  }
0x42: {  	v4 =	vld [tilespmem:s25+$0xFFFFFFF0];
	[tilespmem:s26+$0xFFFFFBF0] =	vst v7  }
0x43: {  	v7 =	vld [tilespmem:s25+$0x0];
	[tilespmem:s26+$0x40] =	vst v1  }
0x44: {  	v1 =	vld [tilespmem:s25+$0x10];
	[tilespmem:s26+$0x50] =	vst v2;
	s26 =	sadd.s32 $0x800, s26  }
0x45: {  	s24 =	sadd.s32 $0x800, s24;
	v2 =	vld [tilespmem:s25+$0x20];
	[tilespmem:s26+$0x60] =	vst v6  }
0x46: {  	v9 =	vld [tilespmem:s25+$0x30];
	[tilespmem:s24+$0x0] =	vst v5  }
0x47: {  	[tilespmem:s26+$0xFFFFFC00] =	vst v8;
	v6 =	vld [tilespmem:s25+$0x3D0]  }
0x48: {  	[tilespmem:s26+$0xFFFFFC10] =	vst v3;
	v5 =	vld [tilespmem:s25+$0x3E0]  }
.Ltmp3:
0x49: {  	[tilespmem:s26+$0xFFFFFC20] =	vst v4;
	v3 =	vld [tilespmem:s25+$0x3F0];
	(pc) =	sbr.rel @p2 .LBB1_4-.Ltmp3, $4  }
0x4a: {  	[tilespmem:s26+$0xFFFFFC30] =	vst v7;
	v4 =	vld [tilespmem:s25+$0x400]  }
0x4b: {  	[tilespmem:s26+$0xFFFFFC40] =	vst v1;
	v1 =	vld [tilespmem:s25+$0x410]  }
0x4c: {  	[tilespmem:s26+$0xFFFFFC50] =	vst v2;
	v2 =	vld [tilespmem:s25+$0x420]  }
0x4d: {  	s27 =	sadd.s32 $0x80, s27;
	s29 =	sand.u32 $0x300, s28;
	v7 =	vld [tilespmem:s25+$0xFFFFFFC0];
	[tilespmem:s26+$0xFFFFFC60] =	vst v9;
	s25 =	sadd.s32 $0x80, s25  }
0x4e: {  	[tilespmem:s26+$0x0] =	vst v6  }
0x4f: {  	[tilespmem:s26+$0x10] =	vst v5  }
0x50: {  	v49 =	vld [tilespmem:s25+$0x430];
	[tilespmem:s26+$0x20] =	vst v3  }
0x51: {  	v50 =	vld [tilespmem:s25+$0xFFFFFFD0];
	[tilespmem:s26+$0x30] =	vst v4  }
0x52: {  	v51 =	vld [tilespmem:s25+$0xFFFFFFE0];
	[tilespmem:s26+$0x40] =	vst v1  }
0x53: {  	v52 =	vld [tilespmem:s25+$0xFFFFFFF0];
	[tilespmem:s26+$0x50] =	vst v2  }
0x54: {  	s31 =	sadd.s32 $0x800, s26;
	v53 =	vld [tilespmem:s25+$0x0];
	[tilespmem:s26+$0xFFFFFBF0] =	vst v7  }
0x55: {  	v54 =	vld [tilespmem:s25+$0x10];
	[tilespmem:s31+$0x60] =	vst v49  }
0x56: {  	v55 =	vld [tilespmem:s25+$0x20];
	[tilespmem:s31+$0xFFFFFC00] =	vst v50  }
0x57: {  	v56 =	vld [tilespmem:s25+$0x30];
	[tilespmem:s31+$0xFFFFFC10] =	vst v51  }
0x58: {  	v57 =	vld [tilespmem:s25+$0x3D0];
	[tilespmem:s31+$0xFFFFFC20] =	vst v52  }
0x59: {  	v58 =	vld [tilespmem:s25+$0x3E0];
	[tilespmem:s31+$0xFFFFFC30] =	vst v53  }
0x5a: {  	v59 =	vld [tilespmem:s25+$0x3F0];
	[tilespmem:s31+$0xFFFFFC40] =	vst v54  }
0x5b: {  	v60 =	vld [tilespmem:s25+$0x400];
	[tilespmem:s31+$0xFFFFFC50] =	vst v55  }
0x5c: {  	v61 =	vld [tilespmem:s25+$0xFFFFFFC0];
	[tilespmem:s31+$0xFFFFFC60] =	vst v56  }
0x5d: {  	s27 =	sand.u32 $0x80, s28;
	s30 =	sadd.s32 s29, s19;
	v62 =	vld [tilespmem:s25+$0x410];
	[tilespmem:s31+$0x0] =	vst v57  }
0x5e: {  	v63 =	vld [tilespmem:s25+$0x420];
	s23 =	sadd.s32 $0x1, s23;
	s27 =	sadd.s32 s27, s30;
	[tilespmem:s31+$0x10] =	vst v58  }
0x5f: {  	p2 =	sne.s32 s23, $0x8;
	v0 =	vld.idx.msk [tilespmem:v0+s27+$0x400 ss:$0x1], $0xffff;
	[tilespmem:s31+$0x20] =	vst v59  }
.Ltmp4:
0x60: {  	[tilespmem:s31+$0x30] =	vst v60;
	(pc) =	sbr.rel @p2 .LBB1_3-.Ltmp4, $4  }
0x61: {  	[tilespmem:s31+$0xFFFFFBF0] =	vst v61  }
0x62: {  	[tilespmem:s31+$0x40] =	vst v62  }
0x63: {  	s24 =	sadd.s32 $0x800, s24;
	s17 =	sadd.s32 $0x800, s17;
	[tilespmem:s31+$0x50] =	vst v63  }
0x64: {  	s22 =	sadd.s32 $0x80, s22;
	p1 =	por !p1, !p1;
	s18 =	sadd.s32 $0x80, s18;
	[tilespmem:s24+$0x0] =	vst v0  }
0x65: {  	s15 =	sshll.u32 s15, $0x7;
	s17 =	sand.u32 $0x78, s12  }
0x66: {  	s14 =	sshll.u32 s14, $0xD;
	s13 =	sshll.u32 s13, $0xA;
	s29 =	sand.u32 $0x380, s12  }
.Ltmp5:
0x67: {  	s15 =	sand.u32 $0x380, s15;
	s14 =	sadd.s32 s2, s14;
	(pc) =	sbr.rel .LBB1_7-.Ltmp5, $4  }
0x68: {  	s30 =	sand.u32 $0x7, s12;
	s15 =	sor.u32 s15, s17;
	s13 =	sadd.s32 s13, s14  }
0x69: {  	s12 =	sshll.u32 s30, $0x12;
	s31 =	sshrl.u32 s15, $0x3;
	s13 =	sadd.s32 s29, s13  }
0x6a: {  	s12 =	sor.u32 $0x800, s12;
	s13 =	sadd.s32 s31, s13  }
0x6b: {  	[hbm4b:s13+s12] =	stream.strided.scatter [tilespmem:s16], [sflag:$0x2], $0x4000, s6, s12, $0x38;
	[tilespmem:$0x10000] =	vst v63  }
.LBB1_8:
0x6c: {  	_ =	sfence.sel $0x180000  }
0x6d: {  	s2 =	simm.s32 $0x1;
	[bflag:$0x0] =	sbarrier.arrive $0xFFFF  }
0x6e: {  	s31 =	simm.s32 $0x2;
	[sflag:s2] =	ssyncpa.u1 $0x1  }
0x6f: {  	[sflag:s31] =	ssyncpa.u1 $0x1  }
0x70: {  	p0 =	sne.s32 s1, $0x0;
	_ =	strace $0x9000004D  }
0x71: {  	s0 =	sadd.s32 @!p0 $0x100000, s0;
	[bflag:$0x2] =	sbarrier.arrive $0xFFFF  }
0x72: {  	[sflag:s0] =	ssyncadd.tile.s32 @!p0 $0x1;
	_ =	shalt  }
.Lfunc_end1:
_tile_overlayer_lowered:
.L_overlay_start_2:
0x73: {  	(tag) =	ssettag $0x2  }
0x74: {  	s0 =	rddreg [dreg:$0x0];
	s2 =	stileid.u32  }
0x75: {  	s1 =	rddreg [dreg:$0x1];
	p0 =	sne.s32 s2, $0x0  }
0x76: {  	s3 =	rddreg [dreg:$0x2];
	[bflag:$0x3] =	sbarrier.arrive $0xFFFF;
	s2 =	simm.s32 @!p0 $0x1C01  }
0x77: {  	[timem:s3], [sflag:s2] =	dma.local @!p0 [hbm:s0], s1  }
0x78: {  	s0 =	simm.s32 @!p0 $0x1  }
0x79: {  	_ =	swait.ge @!p0 [sflag:s0], s1  }
0x7a: {  	s1 =	ssub.s32 @!p0 $0x0, s1;
	[sflag:s0] =	ssyncset.done @!p0 $0x0  }
0x7b: {  	[sflag:s0] =	ssyncadd.s32 @!p0 s1  }
0x7c: {  	[bflag:$0x3] =	sbarrier.arrive $0xFFFF  }
0x7d: {  	_ =	shalt  }

</sc_bundles>
